<compile_context>
chip_gen: v7x
topology: tpu7x:2x2x1
jax: 0.10.2.dev20260603
libtpu: 0.0.44.dev20260713+nightly
codegen_flags: <defaults>
</compile_context>

<pallas_src>
import functools

import jax
import jax.numpy as jnp
from jax import lax
from jax.experimental import pallas as pl
from jax.experimental.pallas import tpu as pltpu
from jax.experimental.pallas import tpu_sc as plsc

N = 10000
E = 320000
D = 128

NC = 2
NS = 16
NW = NC * NS

ROWS_PER_TILE = E // NW
CHUNK = 80
BIG = 2 * CHUNK
NBIG = ROWS_PER_TILE // BIG
WIN = 640
WIN_STRIDE = 624


def _sc_partials(src, index):
    mesh = plsc.VectorSubcoreMesh(core_axis_name="c", subcore_axis_name="s")

    @functools.partial(
        pl.kernel,
        mesh=mesh,
        out_type=jax.ShapeDtypeStruct((NC, N, D), jnp.float32),
        scratch_types=[
            pltpu.VMEM_SHARED((N, D), jnp.float32),
            pltpu.VMEM((4, CHUNK), jnp.int32),
            pltpu.VMEM((16, D), jnp.float32),
            pltpu.VMEM((BIG, D), jnp.float32),
            pltpu.VMEM((BIG, D), jnp.float32),
        ]
        + [pltpu.SemaphoreType.DMA for _ in range(7)],
    )
    def body(src_hbm, idx_hbm, out_hbm, acc, idx_r, zbuf, buf0, buf1, *sems):
        bufs = (buf0, buf1)
        fsems = sems[0:2]
        isems = sems[2:4]
        ssems = sems[4:6]
        zsem = sems[6]
        c = lax.axis_index("c")
        s = lax.axis_index("s")
        wid = c * NS + s
        row0 = wid * ROWS_PER_TILE
        win0 = pl.multiple_of(s * WIN_STRIDE, 8)

        def fill_start(j, b):
            src_off = pl.multiple_of(row0 + j * BIG, 8)
            pltpu.async_copy(
                idx_hbm.at[pl.ds(src_off, CHUNK)], idx_r.at[2 * b], isems[b]
            )
            pltpu.async_copy(
                idx_hbm.at[pl.ds(pl.multiple_of(src_off + CHUNK, 8), CHUNK)],
                idx_r.at[2 * b + 1],
                isems[b],
            )
            pltpu.async_copy(src_hbm.at[pl.ds(src_off, BIG)], bufs[b], fsems[b])

        def fill_wait(b):
            pltpu.make_async_copy(
                src_hbm.at[pl.ds(0, BIG)], bufs[b], fsems[b]
            ).wait()
            for _ in range(2):
                pltpu.make_async_copy(
                    idx_hbm.at[pl.ds(0, CHUNK)], idx_r.at[2 * b], isems[b]
                ).wait()

        def scat_start(b):
            for h in range(2):
                pltpu.async_copy(
                    bufs[b].at[pl.ds(h * CHUNK, CHUNK)],
                    acc.at[idx_r.at[2 * b + h]],
                    ssems[b],
                    add=True,
                )

        def scat_wait(b):
            for h in range(2):
                pltpu.make_async_copy(
                    bufs[b].at[pl.ds(0, CHUNK)], acc.at[idx_r.at[2 * b]], ssems[b]
                ).wait()

        def tail_start():
            src_off = pl.multiple_of(row0 + NBIG * BIG, 8)
            pltpu.async_copy(
                idx_hbm.at[pl.ds(src_off, CHUNK)], idx_r.at[0], isems[0]
            )
            pltpu.async_copy(
                src_hbm.at[pl.ds(src_off, CHUNK)],
                bufs[0].at[pl.ds(0, CHUNK)],
                fsems[0],
            )

        def tail_wait():
            pltpu.make_async_copy(
                src_hbm.at[pl.ds(0, CHUNK)], bufs[0].at[pl.ds(0, CHUNK)], fsems[0]
            ).wait()
            pltpu.make_async_copy(
                idx_hbm.at[pl.ds(0, CHUNK)], idx_r.at[0], isems[0]
            ).wait()

        fill_start(0, 0)
        fill_start(1, 1)

        zeros16 = jnp.zeros((16,), jnp.float32)

        def zero_row(r, _):
            for k in range(D // 16):
                zbuf[r, pl.ds(k * 16, 16)] = zeros16
            return 0

        lax.fori_loop(0, 16, zero_row, 0)
        for z in range(WIN // 16):
            pltpu.async_copy(
                zbuf,
                acc.at[pl.ds(pl.multiple_of(win0 + z * 16, 8), 16)],
                zsem,
            )
        for z in range(WIN // 16):
            pltpu.make_async_copy(zbuf, acc.at[pl.ds(win0, 16)], zsem).wait()
        plsc.subcore_barrier()

        fill_wait(0)
        scat_start(0)

        def pair_step(g, _):
            fill_wait(1)
            scat_start(1)
            scat_wait(0)
            fill_start(2 * g + 2, 0)
            fill_wait(0)
            scat_start(0)
            scat_wait(1)
            fill_start(2 * g + 3, 1)
            return 0

        lax.fori_loop(0, (NBIG - 2) // 2, pair_step, 0)

        fill_wait(1)
        scat_start(1)
        scat_wait(0)
        tail_start()
        tail_wait()
        pltpu.async_copy(
            bufs[0].at[pl.ds(0, CHUNK)], acc.at[idx_r.at[0]], ssems[0], add=True
        )
        scat_wait(1)
        pltpu.make_async_copy(
            bufs[0].at[pl.ds(0, CHUNK)], acc.at[idx_r.at[0]], ssems[0]
        ).wait()
        plsc.subcore_barrier()

        pltpu.sync_copy(
            acc.at[pl.ds(win0, WIN)],
            out_hbm.at[c].at[pl.ds(win0, WIN)],
        )

    return body(src, index)


def _combine(partials):
    def body(p_ref, o_ref):
        o_ref[...] = p_ref[0] + p_ref[1]

    blk = 1000
    return pl.pallas_call(
        body,
        grid=(N // blk,),
        in_specs=[pl.BlockSpec((NC, blk, D), lambda i: (0, i, 0))],
        out_specs=pl.BlockSpec((blk, D), lambda i: (i, 0)),
        out_shape=jax.ShapeDtypeStruct((N, D), jnp.float32),
    )(partials)


def kernel(src, index):
    partials = _sc_partials(src, index)
    return _combine(partials)

# --- scband reference (transcript-rebuilt; emitter-appended) ---
"""Pipeline reference for scband-scatter-50757923504892 (READ-ONLY COPY).

The authoritative reference and input builder live on the scoring server;
editing this copy changes nothing except your own understanding.
"""

import jax, jax.numpy as jnp
import numpy as np

N_NODES = 10000
E = 320000
D = 128

def setup_inputs(seed: int = 0) -> dict:
    key = jax.random.key(seed)
    k1, k2 = jax.random.split(key)
    src = jax.random.normal(k1, (E, D), dtype=jnp.float32)
    index = jnp.sort(jax.random.randint(k2, (E,), 0, N_NODES, dtype=jnp.int32))
    return {"src": src, "index": index}

def reference(src, index):
    # Scatter(op='add', dim=0, dim_size=N_NODES, unbind_index=False):
    # out[index[i], :] += src[i, :]
    out = jax.ops.segment_sum(src, index, num_segments=N_NODES)
    return out

if __name__ == "__main__":
    import jax
    _d = setup_inputs()
    print(jax.jit(kernel)(*tuple(_d.values())))

</pallas_src>

<mosaic_0001>
#map = affine_map<(d0, d1) -> (0, 0)>
#map1 = affine_map<(d0, d1) -> (0)>
#map2 = affine_map<(d0, d1) -> (0, 0, 0)>
module attributes {stable_mosaic.version = 14 : i64} {
  func.func @body(%arg0: i32, %arg1: i32, %arg2: memref<320000x128xf32, #tpu.memory_space<hbm>>, %arg3: memref<320000xi32, #tpu.memory_space<hbm>>, %arg4: memref<2x10000x128xf32, #tpu.memory_space<hbm>>, %arg5: memref<10000x128xf32, #tpu.memory_space<vmem_shared>>, %arg6: memref<4x80xi32, #tpu.memory_space<vmem>>, %arg7: memref<16x128xf32, #tpu.memory_space<vmem>>, %arg8: memref<160x128xf32, #tpu.memory_space<vmem>>, %arg9: memref<160x128xf32, #tpu.memory_space<vmem>>, %arg10: memref<!tpu.dma_semaphore, #tpu.memory_space<semaphore_mem>>, %arg11: memref<!tpu.dma_semaphore, #tpu.memory_space<semaphore_mem>>, %arg12: memref<!tpu.dma_semaphore, #tpu.memory_space<semaphore_mem>>, %arg13: memref<!tpu.dma_semaphore, #tpu.memory_space<semaphore_mem>>, %arg14: memref<!tpu.dma_semaphore, #tpu.memory_space<semaphore_mem>>, %arg15: memref<!tpu.dma_semaphore, #tpu.memory_space<semaphore_mem>>, %arg16: memref<!tpu.dma_semaphore, #tpu.memory_space<semaphore_mem>>) attributes {dimension_semantics = [#tpu.dimension_semantics<core_parallel>, #tpu.dimension_semantics<subcore_parallel>], iteration_bounds = array<i64: 2, 16>, scalar_prefetch = 0 : i64, scratch_operands = 12 : i64, tpu.core_type = #tpu.core_type<sc_vector_subcore>, window_params = [{transform_indices = #map}, {transform_indices = #map1}, {transform_indices = #map2}]} {
    %mul3A = arith.constant 16 : i32
    %mul3A_0 = arith.muli %arg0, %mul3A : i32
    %add3A = arith.addi %mul3A_0, %arg1 : i32
    %mul3A_1 = arith.constant 10000 : i32
    %mul3A_2 = arith.muli %add3A, %mul3A_1 : i32
    %mul3A_3 = arith.constant 624 : i32
    %mul3A_4 = arith.muli %arg1, %mul3A_3 : i32
    %multiple_of3A = tpu.assume_multiple %mul3A_4, 8 : i32
    %add3A_5 = arith.constant 0 : i32
    %add3A_6 = arith.addi %mul3A_2, %add3A_5 : i32
    %multiple_of3A_7 = tpu.assume_multiple %add3A_6, 8 : i32
    %dma_start3A = arith.constant 0 : i32
    %dma_start3A_8 = arith.constant 0 : i32
    %dma_start3A_9 = tpu.memref_slice %arg6[%dma_start3A, %dma_start3A_8] : memref<4x80xi32, #tpu.memory_space<vmem>> -> memref<1x80xi32, #tpu.memory_space<vmem>>
    %dma_start3A_10 = tpu.memref_squeeze %dma_start3A_9 : memref<1x80xi32, #tpu.memory_space<vmem>> -> memref<80xi32, #tpu.memory_space<vmem>>
    %dma_start3A_11 = tpu.memref_slice %arg3[%multiple_of3A_7] : memref<320000xi32, #tpu.memory_space<hbm>> -> memref<80xi32, #tpu.memory_space<hbm>>
    %dma_start3A_12 = arith.constant 0 : i32
    %dma_start3A_13 = tpu.memref_slice %arg6[%dma_start3A, %dma_start3A_12] : memref<4x80xi32, #tpu.memory_space<vmem>> -> memref<1x80xi32, #tpu.memory_space<vmem>>
    %dma_start3A_14 = tpu.memref_squeeze %dma_start3A_13 : memref<1x80xi32, #tpu.memory_space<vmem>> -> memref<80xi32, #tpu.memory_space<vmem>>
    %dma_start3A_15 = tpu.memref_slice %arg3[%multiple_of3A_7] : memref<320000xi32, #tpu.memory_space<hbm>> -> memref<80xi32, #tpu.memory_space<hbm>>
    tpu.enqueue_dma source(%dma_start3A_15 : memref<80xi32, #tpu.memory_space<hbm>>) target(%dma_start3A_14 : memref<80xi32, #tpu.memory_space<vmem>>) target_semaphore(%arg12 : memref<!tpu.dma_semaphore, #tpu.memory_space<semaphore_mem>>)
    %add3A_16 = arith.constant 80 : i32
    %add3A_17 = arith.addi %multiple_of3A_7, %add3A_16 : i32
    %multiple_of3A_18 = tpu.assume_multiple %add3A_17, 8 : i32
    %dma_start3A_19 = arith.constant 1 : i32
    %dma_start3A_20 = arith.constant 0 : i32
    %dma_start3A_21 = tpu.memref_slice %arg6[%dma_start3A_19, %dma_start3A_20] : memref<4x80xi32, #tpu.memory_space<vmem>> -> memref<1x80xi32, #tpu.memory_space<vmem>>
    %dma_start3A_22 = tpu.memref_squeeze %dma_start3A_21 : memref<1x80xi32, #tpu.memory_space<vmem>> -> memref<80xi32, #tpu.memory_space<vmem>>
    %dma_start3A_23 = tpu.memref_slice %arg3[%multiple_of3A_18] : memref<320000xi32, #tpu.memory_space<hbm>> -> memref<80xi32, #tpu.memory_space<hbm>>
    %dma_start3A_24 = arith.constant 0 : i32
    %dma_start3A_25 = tpu.memref_slice %arg6[%dma_start3A_19, %dma_start3A_24] : memref<4x80xi32, #tpu.memory_space<vmem>> -> memref<1x80xi32, #tpu.memory_space<vmem>>
    %dma_start3A_26 = tpu.memref_squeeze %dma_start3A_25 : memref<1x80xi32, #tpu.memory_space<vmem>> -> memref<80xi32, #tpu.memory_space<vmem>>
    %dma_start3A_27 = tpu.memref_slice %arg3[%multiple_of3A_18] : memref<320000xi32, #tpu.memory_space<hbm>> -> memref<80xi32, #tpu.memory_space<hbm>>
    tpu.enqueue_dma source(%dma_start3A_27 : memref<80xi32, #tpu.memory_space<hbm>>) target(%dma_start3A_26 : memref<80xi32, #tpu.memory_space<vmem>>) target_semaphore(%arg12 : memref<!tpu.dma_semaphore, #tpu.memory_space<semaphore_mem>>)
    %dma_start3A_28 = arith.constant 0 : i32
    %dma_start3A_29 = tpu.memref_slice %arg2[%multiple_of3A_7, %dma_start3A_28] : memref<320000x128xf32, #tpu.memory_space<hbm>> -> memref<160x128xf32, #tpu.memory_space<hbm>>
    %dma_start3A_30 = arith.constant 0 : i32
    %dma_start3A_31 = tpu.memref_slice %arg2[%multiple_of3A_7, %dma_start3A_30] : memref<320000x128xf32, #tpu.memory_space<hbm>> -> memref<160x128xf32, #tpu.memory_space<hbm>>
    tpu.enqueue_dma source(%dma_start3A_31 : memref<160x128xf32, #tpu.memory_space<hbm>>) target(%arg8 : memref<160x128xf32, #tpu.memory_space<vmem>>) target_semaphore(%arg10 : memref<!tpu.dma_semaphore, #tpu.memory_space<semaphore_mem>>)
    %add3A_32 = arith.constant 160 : i32
    %add3A_33 = arith.addi %mul3A_2, %add3A_32 : i32
    %multiple_of3A_34 = tpu.assume_multiple %add3A_33, 8 : i32
    %dma_start3A_35 = arith.constant 2 : i32
    %dma_start3A_36 = arith.constant 0 : i32
    %dma_start3A_37 = tpu.memref_slice %arg6[%dma_start3A_35, %dma_start3A_36] : memref<4x80xi32, #tpu.memory_space<vmem>> -> memref<1x80xi32, #tpu.memory_space<vmem>>
    %dma_start3A_38 = tpu.memref_squeeze %dma_start3A_37 : memref<1x80xi32, #tpu.memory_space<vmem>> -> memref<80xi32, #tpu.memory_space<vmem>>
    %dma_start3A_39 = tpu.memref_slice %arg3[%multiple_of3A_34] : memref<320000xi32, #tpu.memory_space<hbm>> -> memref<80xi32, #tpu.memory_space<hbm>>
    %dma_start3A_40 = arith.constant 0 : i32
    %dma_start3A_41 = tpu.memref_slice %arg6[%dma_start3A_35, %dma_start3A_40] : memref<4x80xi32, #tpu.memory_space<vmem>> -> memref<1x80xi32, #tpu.memory_space<vmem>>
    %dma_start3A_42 = tpu.memref_squeeze %dma_start3A_41 : memref<1x80xi32, #tpu.memory_space<vmem>> -> memref<80xi32, #tpu.memory_space<vmem>>
    %dma_start3A_43 = tpu.memref_slice %arg3[%multiple_of3A_34] : memref<320000xi32, #tpu.memory_space<hbm>> -> memref<80xi32, #tpu.memory_space<hbm>>
    tpu.enqueue_dma source(%dma_start3A_43 : memref<80xi32, #tpu.memory_space<hbm>>) target(%dma_start3A_42 : memref<80xi32, #tpu.memory_space<vmem>>) target_semaphore(%arg13 : memref<!tpu.dma_semaphore, #tpu.memory_space<semaphore_mem>>)
    %add3A_44 = arith.constant 80 : i32
    %add3A_45 = arith.addi %multiple_of3A_34, %add3A_44 : i32
    %multiple_of3A_46 = tpu.assume_multiple %add3A_45, 8 : i32
    %dma_start3A_47 = arith.constant 3 : i32
    %dma_start3A_48 = arith.constant 0 : i32
    %dma_start3A_49 = tpu.memref_slice %arg6[%dma_start3A_47, %dma_start3A_48] : memref<4x80xi32, #tpu.memory_space<vmem>> -> memref<1x80xi32, #tpu.memory_space<vmem>>
    %dma_start3A_50 = tpu.memref_squeeze %dma_start3A_49 : memref<1x80xi32, #tpu.memory_space<vmem>> -> memref<80xi32, #tpu.memory_space<vmem>>
    %dma_start3A_51 = tpu.memref_slice %arg3[%multiple_of3A_46] : memref<320000xi32, #tpu.memory_space<hbm>> -> memref<80xi32, #tpu.memory_space<hbm>>
    %dma_start3A_52 = arith.constant 0 : i32
    %dma_start3A_53 = tpu.memref_slice %arg6[%dma_start3A_47, %dma_start3A_52] : memref<4x80xi32, #tpu.memory_space<vmem>> -> memref<1x80xi32, #tpu.memory_space<vmem>>
    %dma_start3A_54 = tpu.memref_squeeze %dma_start3A_53 : memref<1x80xi32, #tpu.memory_space<vmem>> -> memref<80xi32, #tpu.memory_space<vmem>>
    %dma_start3A_55 = tpu.memref_slice %arg3[%multiple_of3A_46] : memref<320000xi32, #tpu.memory_space<hbm>> -> memref<80xi32, #tpu.memory_space<hbm>>
    tpu.enqueue_dma source(%dma_start3A_55 : memref<80xi32, #tpu.memory_space<hbm>>) target(%dma_start3A_54 : memref<80xi32, #tpu.memory_space<vmem>>) target_semaphore(%arg13 : memref<!tpu.dma_semaphore, #tpu.memory_space<semaphore_mem>>)
    %dma_start3A_56 = arith.constant 0 : i32
    %dma_start3A_57 = tpu.memref_slice %arg2[%multiple_of3A_34, %dma_start3A_56] : memref<320000x128xf32, #tpu.memory_space<hbm>> -> memref<160x128xf32, #tpu.memory_space<hbm>>
    %dma_start3A_58 = arith.constant 0 : i32
    %dma_start3A_59 = tpu.memref_slice %arg2[%multiple_of3A_34, %dma_start3A_58] : memref<320000x128xf32, #tpu.memory_space<hbm>> -> memref<160x128xf32, #tpu.memory_space<hbm>>
    tpu.enqueue_dma source(%dma_start3A_59 : memref<160x128xf32, #tpu.memory_space<hbm>>) target(%arg9 : memref<160x128xf32, #tpu.memory_space<vmem>>) target_semaphore(%arg11 : memref<!tpu.dma_semaphore, #tpu.memory_space<semaphore_mem>>)
    %broadcast_in_dim3A = arith.constant 0.000000e+00 : f32
    %broadcast_in_dim3A_60 = vector.broadcast %broadcast_in_dim3A : f32 to vector<16xf32>
    %scan3A = arith.constant 0 : i32
    %scan3A_61 = arith.constant 0 : i32
    %scan3A_62 = arith.constant 16 : i32
    %scan3A_63 = arith.addi %scan3A_61, %scan3A_62 : i32
    %scan3A_64 = arith.constant 1 : i32
    %scan3A_65 = scf.for %scan3A_715 = %scan3A_61 to %scan3A_63 step %scan3A_64 iter_args(%scan3A_716 = %scan3A) -> (i32)  : i32 {
      %swap3A = arith.index_cast %scan3A_715 : i32 to index
      %swap3A_717 = arith.constant 0 : index
      %swap3A_718 = tpu.vector_load %arg7[%swap3A, %swap3A_717] {strides = array<i32>} : memref<16x128xf32, #tpu.memory_space<vmem>>, vector<1x16xf32>,
      %swap3A_719 = vector.shape_cast %swap3A_718 : vector<1x16xf32> to vector<16xf32>
      %swap3A_720 = vector.shape_cast %broadcast_in_dim3A_60 : vector<16xf32> to vector<1x16xf32>
      tpu.vector_store %arg7[%swap3A, %swap3A_717], %swap3A_720 {strides = array<i32>} : memref<16x128xf32, #tpu.memory_space<vmem>>, vector<1x16xf32>,
      %swap3A_721 = arith.index_cast %scan3A_715 : i32 to index
      %swap3A_722 = arith.constant 16 : index
      %swap3A_723 = tpu.vector_load %arg7[%swap3A_721, %swap3A_722] {strides = array<i32>} : memref<16x128xf32, #tpu.memory_space<vmem>>, vector<1x16xf32>,
      %swap3A_724 = vector.shape_cast %swap3A_723 : vector<1x16xf32> to vector<16xf32>
      %swap3A_725 = vector.shape_cast %broadcast_in_dim3A_60 : vector<16xf32> to vector<1x16xf32>
      tpu.vector_store %arg7[%swap3A_721, %swap3A_722], %swap3A_725 {strides = array<i32>} : memref<16x128xf32, #tpu.memory_space<vmem>>, vector<1x16xf32>,
      %swap3A_726 = arith.index_cast %scan3A_715 : i32 to index
      %swap3A_727 = arith.constant 32 : index
      %swap3A_728 = tpu.vector_load %arg7[%swap3A_726, %swap3A_727] {strides = array<i32>} : memref<16x128xf32, #tpu.memory_space<vmem>>, vector<1x16xf32>,
      %swap3A_729 = vector.shape_cast %swap3A_728 : vector<1x16xf32> to vector<16xf32>
      %swap3A_730 = vector.shape_cast %broadcast_in_dim3A_60 : vector<16xf32> to vector<1x16xf32>
      tpu.vector_store %arg7[%swap3A_726, %swap3A_727], %swap3A_730 {strides = array<i32>} : memref<16x128xf32, #tpu.memory_space<vmem>>, vector<1x16xf32>,
      %swap3A_731 = arith.index_cast %scan3A_715 : i32 to index
      %swap3A_732 = arith.constant 48 : index
      %swap3A_733 = tpu.vector_load %arg7[%swap3A_731, %swap3A_732] {strides = array<i32>} : memref<16x128xf32, #tpu.memory_space<vmem>>, vector<1x16xf32>,
      %swap3A_734 = vector.shape_cast %swap3A_733 : vector<1x16xf32> to vector<16xf32>
      %swap3A_735 = vector.shape_cast %broadcast_in_dim3A_60 : vector<16xf32> to vector<1x16xf32>
      tpu.vector_store %arg7[%swap3A_731, %swap3A_732], %swap3A_735 {strides = array<i32>} : memref<16x128xf32, #tpu.memory_space<vmem>>, vector<1x16xf32>,
      %swap3A_736 = arith.index_cast %scan3A_715 : i32 to index
      %swap3A_737 = arith.constant 64 : index
      %swap3A_738 = tpu.vector_load %arg7[%swap3A_736, %swap3A_737] {strides = array<i32>} : memref<16x128xf32, #tpu.memory_space<vmem>>, vector<1x16xf32>,
      %swap3A_739 = vector.shape_cast %swap3A_738 : vector<1x16xf32> to vector<16xf32>
      %swap3A_740 = vector.shape_cast %broadcast_in_dim3A_60 : vector<16xf32> to vector<1x16xf32>
      tpu.vector_store %arg7[%swap3A_736, %swap3A_737], %swap3A_740 {strides = array<i32>} : memref<16x128xf32, #tpu.memory_space<vmem>>, vector<1x16xf32>,
      %swap3A_741 = arith.index_cast %scan3A_715 : i32 to index
      %swap3A_742 = arith.constant 80 : index
      %swap3A_743 = tpu.vector_load %arg7[%swap3A_741, %swap3A_742] {strides = array<i32>} : memref<16x128xf32, #tpu.memory_space<vmem>>, vector<1x16xf32>,
      %swap3A_744 = vector.shape_cast %swap3A_743 : vector<1x16xf32> to vector<16xf32>
      %swap3A_745 = vector.shape_cast %broadcast_in_dim3A_60 : vector<16xf32> to vector<1x16xf32>
      tpu.vector_store %arg7[%swap3A_741, %swap3A_742], %swap3A_745 {strides = array<i32>} : memref<16x128xf32, #tpu.memory_space<vmem>>, vector<1x16xf32>,
      %swap3A_746 = arith.index_cast %scan3A_715 : i32 to index
      %swap3A_747 = arith.constant 96 : index
      %swap3A_748 = tpu.vector_load %arg7[%swap3A_746, %swap3A_747] {strides = array<i32>} : memref<16x128xf32, #tpu.memory_space<vmem>>, vector<1x16xf32>,
      %swap3A_749 = vector.shape_cast %swap3A_748 : vector<1x16xf32> to vector<16xf32>
      %swap3A_750 = vector.shape_cast %broadcast_in_dim3A_60 : vector<16xf32> to vector<1x16xf32>
      tpu.vector_store %arg7[%swap3A_746, %swap3A_747], %swap3A_750 {strides = array<i32>} : memref<16x128xf32, #tpu.memory_space<vmem>>, vector<1x16xf32>,
      %swap3A_751 = arith.index_cast %scan3A_715 : i32 to index
      %swap3A_752 = arith.constant 112 : index
      %swap3A_753 = tpu.vector_load %arg7[%swap3A_751, %swap3A_752] {strides = array<i32>} : memref<16x128xf32, #tpu.memory_space<vmem>>, vector<1x16xf32>,
      %swap3A_754 = vector.shape_cast %swap3A_753 : vector<1x16xf32> to vector<16xf32>
      %swap3A_755 = vector.shape_cast %broadcast_in_dim3A_60 : vector<16xf32> to vector<1x16xf32>
      tpu.vector_store %arg7[%swap3A_751, %swap3A_752], %swap3A_755 {strides = array<i32>} : memref<16x128xf32, #tpu.memory_space<vmem>>, vector<1x16xf32>,
      %scan3A_756 = arith.constant 0 : i32
      scf.yield %scan3A_756 : i32
    }
    %scan3A_66 = arith.constant 16 : i32
    %add3A_67 = arith.constant 0 : i32
    %add3A_68 = arith.addi %multiple_of3A, %add3A_67 : i32
    %multiple_of3A_69 = tpu.assume_multiple %add3A_68, 8 : i32
    %dma_start3A_70 = arith.constant 0 : i32
    %dma_start3A_71 = tpu.memref_slice %arg5[%multiple_of3A_69, %dma_start3A_70] : memref<10000x128xf32, #tpu.memory_space<vmem_shared>> -> memref<16x128xf32, #tpu.memory_space<vmem_shared>>
    %dma_start3A_72 = arith.constant 0 : i32
    %dma_start3A_73 = tpu.memref_slice %arg5[%multiple_of3A_69, %dma_start3A_72] : memref<10000x128xf32, #tpu.memory_space<vmem_shared>> -> memref<16x128xf32, #tpu.memory_space<vmem_shared>>
    tpu.enqueue_dma source(%arg7 : memref<16x128xf32, #tpu.memory_space<vmem>>) target(%dma_start3A_73 : memref<16x128xf32, #tpu.memory_space<vmem_shared>>) target_semaphore(%arg16 : memref<!tpu.dma_semaphore, #tpu.memory_space<semaphore_mem>>)
    %add3A_74 = arith.constant 16 : i32
    %add3A_75 = arith.addi %multiple_of3A, %add3A_74 : i32
    %multiple_of3A_76 = tpu.assume_multiple %add3A_75, 8 : i32
    %dma_start3A_77 = arith.constant 0 : i32
    %dma_start3A_78 = tpu.memref_slice %arg5[%multiple_of3A_76, %dma_start3A_77] : memref<10000x128xf32, #tpu.memory_space<vmem_shared>> -> memref<16x128xf32, #tpu.memory_space<vmem_shared>>
    %dma_start3A_79 = arith.constant 0 : i32
    %dma_start3A_80 = tpu.memref_slice %arg5[%multiple_of3A_76, %dma_start3A_79] : memref<10000x128xf32, #tpu.memory_space<vmem_shared>> -> memref<16x128xf32, #tpu.memory_space<vmem_shared>>
    tpu.enqueue_dma source(%arg7 : memref<16x128xf32, #tpu.memory_space<vmem>>) target(%dma_start3A_80 : memref<16x128xf32, #tpu.memory_space<vmem_shared>>) target_semaphore(%arg16 : memref<!tpu.dma_semaphore, #tpu.memory_space<semaphore_mem>>)
    %add3A_81 = arith.constant 32 : i32
    %add3A_82 = arith.addi %multiple_of3A, %add3A_81 : i32
    %multiple_of3A_83 = tpu.assume_multiple %add3A_82, 8 : i32
    %dma_start3A_84 = arith.constant 0 : i32
    %dma_start3A_85 = tpu.memref_slice %arg5[%multiple_of3A_83, %dma_start3A_84] : memref<10000x128xf32, #tpu.memory_space<vmem_shared>> -> memref<16x128xf32, #tpu.memory_space<vmem_shared>>
    %dma_start3A_86 = arith.constant 0 : i32
    %dma_start3A_87 = tpu.memref_slice %arg5[%multiple_of3A_83, %dma_start3A_86] : memref<10000x128xf32, #tpu.memory_space<vmem_shared>> -> memref<16x128xf32, #tpu.memory_space<vmem_shared>>
    tpu.enqueue_dma source(%arg7 : memref<16x128xf32, #tpu.memory_space<vmem>>) target(%dma_start3A_87 : memref<16x128xf32, #tpu.memory_space<vmem_shared>>) target_semaphore(%arg16 : memref<!tpu.dma_semaphore, #tpu.memory_space<semaphore_mem>>)
    %add3A_88 = arith.constant 48 : i32
    %add3A_89 = arith.addi %multiple_of3A, %add3A_88 : i32
    %multiple_of3A_90 = tpu.assume_multiple %add3A_89, 8 : i32
    %dma_start3A_91 = arith.constant 0 : i32
    %dma_start3A_92 = tpu.memref_slice %arg5[%multiple_of3A_90, %dma_start3A_91] : memref<10000x128xf32, #tpu.memory_space<vmem_shared>> -> memref<16x128xf32, #tpu.memory_space<vmem_shared>>
    %dma_start3A_93 = arith.constant 0 : i32
    %dma_start3A_94 = tpu.memref_slice %arg5[%multiple_of3A_90, %dma_start3A_93] : memref<10000x128xf32, #tpu.memory_space<vmem_shared>> -> memref<16x128xf32, #tpu.memory_space<vmem_shared>>
    tpu.enqueue_dma source(%arg7 : memref<16x128xf32, #tpu.memory_space<vmem>>) target(%dma_start3A_94 : memref<16x128xf32, #tpu.memory_space<vmem_shared>>) target_semaphore(%arg16 : memref<!tpu.dma_semaphore, #tpu.memory_space<semaphore_mem>>)
    %add3A_95 = arith.constant 64 : i32
    %add3A_96 = arith.addi %multiple_of3A, %add3A_95 : i32
    %multiple_of3A_97 = tpu.assume_multiple %add3A_96, 8 : i32
    %dma_start3A_98 = arith.constant 0 : i32
    %dma_start3A_99 = tpu.memref_slice %arg5[%multiple_of3A_97, %dma_start3A_98] : memref<10000x128xf32, #tpu.memory_space<vmem_shared>> -> memref<16x128xf32, #tpu.memory_space<vmem_shared>>
    %dma_start3A_100 = arith.constant 0 : i32
    %dma_start3A_101 = tpu.memref_slice %arg5[%multiple_of3A_97, %dma_start3A_100] : memref<10000x128xf32, #tpu.memory_space<vmem_shared>> -> memref<16x128xf32, #tpu.memory_space<vmem_shared>>
    tpu.enqueue_dma source(%arg7 : memref<16x128xf32, #tpu.memory_space<vmem>>) target(%dma_start3A_101 : memref<16x128xf32, #tpu.memory_space<vmem_shared>>) target_semaphore(%arg16 : memref<!tpu.dma_semaphore, #tpu.memory_space<semaphore_mem>>)
    %add3A_102 = arith.constant 80 : i32
    %add3A_103 = arith.addi %multiple_of3A, %add3A_102 : i32
    %multiple_of3A_104 = tpu.assume_multiple %add3A_103, 8 : i32
    %dma_start3A_105 = arith.constant 0 : i32
    %dma_start3A_106 = tpu.memref_slice %arg5[%multiple_of3A_104, %dma_start3A_105] : memref<10000x128xf32, #tpu.memory_space<vmem_shared>> -> memref<16x128xf32, #tpu.memory_space<vmem_shared>>
    %dma_start3A_107 = arith.constant 0 : i32
    %dma_start3A_108 = tpu.memref_slice %arg5[%multiple_of3A_104, %dma_start3A_107] : memref<10000x128xf32, #tpu.memory_space<vmem_shared>> -> memref<16x128xf32, #tpu.memory_space<vmem_shared>>
    tpu.enqueue_dma source(%arg7 : memref<16x128xf32, #tpu.memory_space<vmem>>) target(%dma_start3A_108 : memref<16x128xf32, #tpu.memory_space<vmem_shared>>) target_semaphore(%arg16 : memref<!tpu.dma_semaphore, #tpu.memory_space<semaphore_mem>>)
    %add3A_109 = arith.constant 96 : i32
    %add3A_110 = arith.addi %multiple_of3A, %add3A_109 : i32
    %multiple_of3A_111 = tpu.assume_multiple %add3A_110, 8 : i32
    %dma_start3A_112 = arith.constant 0 : i32
    %dma_start3A_113 = tpu.memref_slice %arg5[%multiple_of3A_111, %dma_start3A_112] : memref<10000x128xf32, #tpu.memory_space<vmem_shared>> -> memref<16x128xf32, #tpu.memory_space<vmem_shared>>
    %dma_start3A_114 = arith.constant 0 : i32
    %dma_start3A_115 = tpu.memref_slice %arg5[%multiple_of3A_111, %dma_start3A_114] : memref<10000x128xf32, #tpu.memory_space<vmem_shared>> -> memref<16x128xf32, #tpu.memory_space<vmem_shared>>
    tpu.enqueue_dma source(%arg7 : memref<16x128xf32, #tpu.memory_space<vmem>>) target(%dma_start3A_115 : memref<16x128xf32, #tpu.memory_space<vmem_shared>>) target_semaphore(%arg16 : memref<!tpu.dma_semaphore, #tpu.memory_space<semaphore_mem>>)
    %add3A_116 = arith.constant 112 : i32
    %add3A_117 = arith.addi %multiple_of3A, %add3A_116 : i32
    %multiple_of3A_118 = tpu.assume_multiple %add3A_117, 8 : i32
    %dma_start3A_119 = arith.constant 0 : i32
    %dma_start3A_120 = tpu.memref_slice %arg5[%multiple_of3A_118, %dma_start3A_119] : memref<10000x128xf32, #tpu.memory_space<vmem_shared>> -> memref<16x128xf32, #tpu.memory_space<vmem_shared>>
    %dma_start3A_121 = arith.constant 0 : i32
    %dma_start3A_122 = tpu.memref_slice %arg5[%multiple_of3A_118, %dma_start3A_121] : memref<10000x128xf32, #tpu.memory_space<vmem_shared>> -> memref<16x128xf32, #tpu.memory_space<vmem_shared>>
    tpu.enqueue_dma source(%arg7 : memref<16x128xf32, #tpu.memory_space<vmem>>) target(%dma_start3A_122 : memref<16x128xf32, #tpu.memory_space<vmem_shared>>) target_semaphore(%arg16 : memref<!tpu.dma_semaphore, #tpu.memory_space<semaphore_mem>>)
    %add3A_123 = arith.constant 128 : i32
    %add3A_124 = arith.addi %multiple_of3A, %add3A_123 : i32
    %multiple_of3A_125 = tpu.assume_multiple %add3A_124, 8 : i32
    %dma_start3A_126 = arith.constant 0 : i32
    %dma_start3A_127 = tpu.memref_slice %arg5[%multiple_of3A_125, %dma_start3A_126] : memref<10000x128xf32, #tpu.memory_space<vmem_shared>> -> memref<16x128xf32, #tpu.memory_space<vmem_shared>>
    %dma_start3A_128 = arith.constant 0 : i32
    %dma_start3A_129 = tpu.memref_slice %arg5[%multiple_of3A_125, %dma_start3A_128] : memref<10000x128xf32, #tpu.memory_space<vmem_shared>> -> memref<16x128xf32, #tpu.memory_space<vmem_shared>>
    tpu.enqueue_dma source(%arg7 : memref<16x128xf32, #tpu.memory_space<vmem>>) target(%dma_start3A_129 : memref<16x128xf32, #tpu.memory_space<vmem_shared>>) target_semaphore(%arg16 : memref<!tpu.dma_semaphore, #tpu.memory_space<semaphore_mem>>)
    %add3A_130 = arith.constant 144 : i32
    %add3A_131 = arith.addi %multiple_of3A, %add3A_130 : i32
    %multiple_of3A_132 = tpu.assume_multiple %add3A_131, 8 : i32
    %dma_start3A_133 = arith.constant 0 : i32
    %dma_start3A_134 = tpu.memref_slice %arg5[%multiple_of3A_132, %dma_start3A_133] : memref<10000x128xf32, #tpu.memory_space<vmem_shared>> -> memref<16x128xf32, #tpu.memory_space<vmem_shared>>
    %dma_start3A_135 = arith.constant 0 : i32
    %dma_start3A_136 = tpu.memref_slice %arg5[%multiple_of3A_132, %dma_start3A_135] : memref<10000x128xf32, #tpu.memory_space<vmem_shared>> -> memref<16x128xf32, #tpu.memory_space<vmem_shared>>
    tpu.enqueue_dma source(%arg7 : memref<16x128xf32, #tpu.memory_space<vmem>>) target(%dma_start3A_136 : memref<16x128xf32, #tpu.memory_space<vmem_shared>>) target_semaphore(%arg16 : memref<!tpu.dma_semaphore, #tpu.memory_space<semaphore_mem>>)
    %add3A_137 = arith.constant 160 : i32
    %add3A_138 = arith.addi %multiple_of3A, %add3A_137 : i32
    %multiple_of3A_139 = tpu.assume_multiple %add3A_138, 8 : i32
    %dma_start3A_140 = arith.constant 0 : i32
    %dma_start3A_141 = tpu.memref_slice %arg5[%multiple_of3A_139, %dma_start3A_140] : memref<10000x128xf32, #tpu.memory_space<vmem_shared>> -> memref<16x128xf32, #tpu.memory_space<vmem_shared>>
    %dma_start3A_142 = arith.constant 0 : i32
    %dma_start3A_143 = tpu.memref_slice %arg5[%multiple_of3A_139, %dma_start3A_142] : memref<10000x128xf32, #tpu.memory_space<vmem_shared>> -> memref<16x128xf32, #tpu.memory_space<vmem_shared>>
    tpu.enqueue_dma source(%arg7 : memref<16x128xf32, #tpu.memory_space<vmem>>) target(%dma_start3A_143 : memref<16x128xf32, #tpu.memory_space<vmem_shared>>) target_semaphore(%arg16 : memref<!tpu.dma_semaphore, #tpu.memory_space<semaphore_mem>>)
    %add3A_144 = arith.constant 176 : i32
    %add3A_145 = arith.addi %multiple_of3A, %add3A_144 : i32
    %multiple_of3A_146 = tpu.assume_multiple %add3A_145, 8 : i32
    %dma_start3A_147 = arith.constant 0 : i32
    %dma_start3A_148 = tpu.memref_slice %arg5[%multiple_of3A_146, %dma_start3A_147] : memref<10000x128xf32, #tpu.memory_space<vmem_shared>> -> memref<16x128xf32, #tpu.memory_space<vmem_shared>>
    %dma_start3A_149 = arith.constant 0 : i32
    %dma_start3A_150 = tpu.memref_slice %arg5[%multiple_of3A_146, %dma_start3A_149] : memref<10000x128xf32, #tpu.memory_space<vmem_shared>> -> memref<16x128xf32, #tpu.memory_space<vmem_shared>>
    tpu.enqueue_dma source(%arg7 : memref<16x128xf32, #tpu.memory_space<vmem>>) target(%dma_start3A_150 : memref<16x128xf32, #tpu.memory_space<vmem_shared>>) target_semaphore(%arg16 : memref<!tpu.dma_semaphore, #tpu.memory_space<semaphore_mem>>)
    %add3A_151 = arith.constant 192 : i32
    %add3A_152 = arith.addi %multiple_of3A, %add3A_151 : i32
    %multiple_of3A_153 = tpu.assume_multiple %add3A_152, 8 : i32
    %dma_start3A_154 = arith.constant 0 : i32
    %dma_start3A_155 = tpu.memref_slice %arg5[%multiple_of3A_153, %dma_start3A_154] : memref<10000x128xf32, #tpu.memory_space<vmem_shared>> -> memref<16x128xf32, #tpu.memory_space<vmem_shared>>
    %dma_start3A_156 = arith.constant 0 : i32
    %dma_start3A_157 = tpu.memref_slice %arg5[%multiple_of3A_153, %dma_start3A_156] : memref<10000x128xf32, #tpu.memory_space<vmem_shared>> -> memref<16x128xf32, #tpu.memory_space<vmem_shared>>
    tpu.enqueue_dma source(%arg7 : memref<16x128xf32, #tpu.memory_space<vmem>>) target(%dma_start3A_157 : memref<16x128xf32, #tpu.memory_space<vmem_shared>>) target_semaphore(%arg16 : memref<!tpu.dma_semaphore, #tpu.memory_space<semaphore_mem>>)
    %add3A_158 = arith.constant 208 : i32
    %add3A_159 = arith.addi %multiple_of3A, %add3A_158 : i32
    %multiple_of3A_160 = tpu.assume_multiple %add3A_159, 8 : i32
    %dma_start3A_161 = arith.constant 0 : i32
    %dma_start3A_162 = tpu.memref_slice %arg5[%multiple_of3A_160, %dma_start3A_161] : memref<10000x128xf32, #tpu.memory_space<vmem_shared>> -> memref<16x128xf32, #tpu.memory_space<vmem_shared>>
    %dma_start3A_163 = arith.constant 0 : i32
    %dma_start3A_164 = tpu.memref_slice %arg5[%multiple_of3A_160, %dma_start3A_163] : memref<10000x128xf32, #tpu.memory_space<vmem_shared>> -> memref<16x128xf32, #tpu.memory_space<vmem_shared>>
    tpu.enqueue_dma source(%arg7 : memref<16x128xf32, #tpu.memory_space<vmem>>) target(%dma_start3A_164 : memref<16x128xf32, #tpu.memory_space<vmem_shared>>) target_semaphore(%arg16 : memref<!tpu.dma_semaphore, #tpu.memory_space<semaphore_mem>>)
    %add3A_165 = arith.constant 224 : i32
    %add3A_166 = arith.addi %multiple_of3A, %add3A_165 : i32
    %multiple_of3A_167 = tpu.assume_multiple %add3A_166, 8 : i32
    %dma_start3A_168 = arith.constant 0 : i32
    %dma_start3A_169 = tpu.memref_slice %arg5[%multiple_of3A_167, %dma_start3A_168] : memref<10000x128xf32, #tpu.memory_space<vmem_shared>> -> memref<16x128xf32, #tpu.memory_space<vmem_shared>>
    %dma_start3A_170 = arith.constant 0 : i32
    %dma_start3A_171 = tpu.memref_slice %arg5[%multiple_of3A_167, %dma_start3A_170] : memref<10000x128xf32, #tpu.memory_space<vmem_shared>> -> memref<16x128xf32, #tpu.memory_space<vmem_shared>>
    tpu.enqueue_dma source(%arg7 : memref<16x128xf32, #tpu.memory_space<vmem>>) target(%dma_start3A_171 : memref<16x128xf32, #tpu.memory_space<vmem_shared>>) target_semaphore(%arg16 : memref<!tpu.dma_semaphore, #tpu.memory_space<semaphore_mem>>)
    %add3A_172 = arith.constant 240 : i32
    %add3A_173 = arith.addi %multiple_of3A, %add3A_172 : i32
    %multiple_of3A_174 = tpu.assume_multiple %add3A_173, 8 : i32
    %dma_start3A_175 = arith.constant 0 : i32
    %dma_start3A_176 = tpu.memref_slice %arg5[%multiple_of3A_174, %dma_start3A_175] : memref<10000x128xf32, #tpu.memory_space<vmem_shared>> -> memref<16x128xf32, #tpu.memory_space<vmem_shared>>
    %dma_start3A_177 = arith.constant 0 : i32
    %dma_start3A_178 = tpu.memref_slice %arg5[%multiple_of3A_174, %dma_start3A_177] : memref<10000x128xf32, #tpu.memory_space<vmem_shared>> -> memref<16x128xf32, #tpu.memory_space<vmem_shared>>
    tpu.enqueue_dma source(%arg7 : memref<16x128xf32, #tpu.memory_space<vmem>>) target(%dma_start3A_178 : memref<16x128xf32, #tpu.memory_space<vmem_shared>>) target_semaphore(%arg16 : memref<!tpu.dma_semaphore, #tpu.memory_space<semaphore_mem>>)
    %add3A_179 = arith.constant 256 : i32
    %add3A_180 = arith.addi %multiple_of3A, %add3A_179 : i32
    %multiple_of3A_181 = tpu.assume_multiple %add3A_180, 8 : i32
    %dma_start3A_182 = arith.constant 0 : i32
    %dma_start3A_183 = tpu.memref_slice %arg5[%multiple_of3A_181, %dma_start3A_182] : memref<10000x128xf32, #tpu.memory_space<vmem_shared>> -> memref<16x128xf32, #tpu.memory_space<vmem_shared>>
    %dma_start3A_184 = arith.constant 0 : i32
    %dma_start3A_185 = tpu.memref_slice %arg5[%multiple_of3A_181, %dma_start3A_184] : memref<10000x128xf32, #tpu.memory_space<vmem_shared>> -> memref<16x128xf32, #tpu.memory_space<vmem_shared>>
    tpu.enqueue_dma source(%arg7 : memref<16x128xf32, #tpu.memory_space<vmem>>) target(%dma_start3A_185 : memref<16x128xf32, #tpu.memory_space<vmem_shared>>) target_semaphore(%arg16 : memref<!tpu.dma_semaphore, #tpu.memory_space<semaphore_mem>>)
    %add3A_186 = arith.constant 272 : i32
    %add3A_187 = arith.addi %multiple_of3A, %add3A_186 : i32
    %multiple_of3A_188 = tpu.assume_multiple %add3A_187, 8 : i32
    %dma_start3A_189 = arith.constant 0 : i32
    %dma_start3A_190 = tpu.memref_slice %arg5[%multiple_of3A_188, %dma_start3A_189] : memref<10000x128xf32, #tpu.memory_space<vmem_shared>> -> memref<16x128xf32, #tpu.memory_space<vmem_shared>>
    %dma_start3A_191 = arith.constant 0 : i32
    %dma_start3A_192 = tpu.memref_slice %arg5[%multiple_of3A_188, %dma_start3A_191] : memref<10000x128xf32, #tpu.memory_space<vmem_shared>> -> memref<16x128xf32, #tpu.memory_space<vmem_shared>>
    tpu.enqueue_dma source(%arg7 : memref<16x128xf32, #tpu.memory_space<vmem>>) target(%dma_start3A_192 : memref<16x128xf32, #tpu.memory_space<vmem_shared>>) target_semaphore(%arg16 : memref<!tpu.dma_semaphore, #tpu.memory_space<semaphore_mem>>)
    %add3A_193 = arith.constant 288 : i32
    %add3A_194 = arith.addi %multiple_of3A, %add3A_193 : i32
    %multiple_of3A_195 = tpu.assume_multiple %add3A_194, 8 : i32
    %dma_start3A_196 = arith.constant 0 : i32
    %dma_start3A_197 = tpu.memref_slice %arg5[%multiple_of3A_195, %dma_start3A_196] : memref<10000x128xf32, #tpu.memory_space<vmem_shared>> -> memref<16x128xf32, #tpu.memory_space<vmem_shared>>
    %dma_start3A_198 = arith.constant 0 : i32
    %dma_start3A_199 = tpu.memref_slice %arg5[%multiple_of3A_195, %dma_start3A_198] : memref<10000x128xf32, #tpu.memory_space<vmem_shared>> -> memref<16x128xf32, #tpu.memory_space<vmem_shared>>
    tpu.enqueue_dma source(%arg7 : memref<16x128xf32, #tpu.memory_space<vmem>>) target(%dma_start3A_199 : memref<16x128xf32, #tpu.memory_space<vmem_shared>>) target_semaphore(%arg16 : memref<!tpu.dma_semaphore, #tpu.memory_space<semaphore_mem>>)
    %add3A_200 = arith.constant 304 : i32
    %add3A_201 = arith.addi %multiple_of3A, %add3A_200 : i32
    %multiple_of3A_202 = tpu.assume_multiple %add3A_201, 8 : i32
    %dma_start3A_203 = arith.constant 0 : i32
    %dma_start3A_204 = tpu.memref_slice %arg5[%multiple_of3A_202, %dma_start3A_203] : memref<10000x128xf32, #tpu.memory_space<vmem_shared>> -> memref<16x128xf32, #tpu.memory_space<vmem_shared>>
    %dma_start3A_205 = arith.constant 0 : i32
    %dma_start3A_206 = tpu.memref_slice %arg5[%multiple_of3A_202, %dma_start3A_205] : memref<10000x128xf32, #tpu.memory_space<vmem_shared>> -> memref<16x128xf32, #tpu.memory_space<vmem_shared>>
    tpu.enqueue_dma source(%arg7 : memref<16x128xf32, #tpu.memory_space<vmem>>) target(%dma_start3A_206 : memref<16x128xf32, #tpu.memory_space<vmem_shared>>) target_semaphore(%arg16 : memref<!tpu.dma_semaphore, #tpu.memory_space<semaphore_mem>>)
    %add3A_207 = arith.constant 320 : i32
    %add3A_208 = arith.addi %multiple_of3A, %add3A_207 : i32
    %multiple_of3A_209 = tpu.assume_multiple %add3A_208, 8 : i32
    %dma_start3A_210 = arith.constant 0 : i32
    %dma_start3A_211 = tpu.memref_slice %arg5[%multiple_of3A_209, %dma_start3A_210] : memref<10000x128xf32, #tpu.memory_space<vmem_shared>> -> memref<16x128xf32, #tpu.memory_space<vmem_shared>>
    %dma_start3A_212 = arith.constant 0 : i32
    %dma_start3A_213 = tpu.memref_slice %arg5[%multiple_of3A_209, %dma_start3A_212] : memref<10000x128xf32, #tpu.memory_space<vmem_shared>> -> memref<16x128xf32, #tpu.memory_space<vmem_shared>>
    tpu.enqueue_dma source(%arg7 : memref<16x128xf32, #tpu.memory_space<vmem>>) target(%dma_start3A_213 : memref<16x128xf32, #tpu.memory_space<vmem_shared>>) target_semaphore(%arg16 : memref<!tpu.dma_semaphore, #tpu.memory_space<semaphore_mem>>)
    %add3A_214 = arith.constant 336 : i32
    %add3A_215 = arith.addi %multiple_of3A, %add3A_214 : i32
    %multiple_of3A_216 = tpu.assume_multiple %add3A_215, 8 : i32
    %dma_start3A_217 = arith.constant 0 : i32
    %dma_start3A_218 = tpu.memref_slice %arg5[%multiple_of3A_216, %dma_start3A_217] : memref<10000x128xf32, #tpu.memory_space<vmem_shared>> -> memref<16x128xf32, #tpu.memory_space<vmem_shared>>
    %dma_start3A_219 = arith.constant 0 : i32
    %dma_start3A_220 = tpu.memref_slice %arg5[%multiple_of3A_216, %dma_start3A_219] : memref<10000x128xf32, #tpu.memory_space<vmem_shared>> -> memref<16x128xf32, #tpu.memory_space<vmem_shared>>
    tpu.enqueue_dma source(%arg7 : memref<16x128xf32, #tpu.memory_space<vmem>>) target(%dma_start3A_220 : memref<16x128xf32, #tpu.memory_space<vmem_shared>>) target_semaphore(%arg16 : memref<!tpu.dma_semaphore, #tpu.memory_space<semaphore_mem>>)
    %add3A_221 = arith.constant 352 : i32
    %add3A_222 = arith.addi %multiple_of3A, %add3A_221 : i32
    %multiple_of3A_223 = tpu.assume_multiple %add3A_222, 8 : i32
    %dma_start3A_224 = arith.constant 0 : i32
    %dma_start3A_225 = tpu.memref_slice %arg5[%multiple_of3A_223, %dma_start3A_224] : memref<10000x128xf32, #tpu.memory_space<vmem_shared>> -> memref<16x128xf32, #tpu.memory_space<vmem_shared>>
    %dma_start3A_226 = arith.constant 0 : i32
    %dma_start3A_227 = tpu.memref_slice %arg5[%multiple_of3A_223, %dma_start3A_226] : memref<10000x128xf32, #tpu.memory_space<vmem_shared>> -> memref<16x128xf32, #tpu.memory_space<vmem_shared>>
    tpu.enqueue_dma source(%arg7 : memref<16x128xf32, #tpu.memory_space<vmem>>) target(%dma_start3A_227 : memref<16x128xf32, #tpu.memory_space<vmem_shared>>) target_semaphore(%arg16 : memref<!tpu.dma_semaphore, #tpu.memory_space<semaphore_mem>>)
    %add3A_228 = arith.constant 368 : i32
    %add3A_229 = arith.addi %multiple_of3A, %add3A_228 : i32
    %multiple_of3A_230 = tpu.assume_multiple %add3A_229, 8 : i32
    %dma_start3A_231 = arith.constant 0 : i32
    %dma_start3A_232 = tpu.memref_slice %arg5[%multiple_of3A_230, %dma_start3A_231] : memref<10000x128xf32, #tpu.memory_space<vmem_shared>> -> memref<16x128xf32, #tpu.memory_space<vmem_shared>>
    %dma_start3A_233 = arith.constant 0 : i32
    %dma_start3A_234 = tpu.memref_slice %arg5[%multiple_of3A_230, %dma_start3A_233] : memref<10000x128xf32, #tpu.memory_space<vmem_shared>> -> memref<16x128xf32, #tpu.memory_space<vmem_shared>>
    tpu.enqueue_dma source(%arg7 : memref<16x128xf32, #tpu.memory_space<vmem>>) target(%dma_start3A_234 : memref<16x128xf32, #tpu.memory_space<vmem_shared>>) target_semaphore(%arg16 : memref<!tpu.dma_semaphore, #tpu.memory_space<semaphore_mem>>)
    %add3A_235 = arith.constant 384 : i32
    %add3A_236 = arith.addi %multiple_of3A, %add3A_235 : i32
    %multiple_of3A_237 = tpu.assume_multiple %add3A_236, 8 : i32
    %dma_start3A_238 = arith.constant 0 : i32
    %dma_start3A_239 = tpu.memref_slice %arg5[%multiple_of3A_237, %dma_start3A_238] : memref<10000x128xf32, #tpu.memory_space<vmem_shared>> -> memref<16x128xf32, #tpu.memory_space<vmem_shared>>
    %dma_start3A_240 = arith.constant 0 : i32
    %dma_start3A_241 = tpu.memref_slice %arg5[%multiple_of3A_237, %dma_start3A_240] : memref<10000x128xf32, #tpu.memory_space<vmem_shared>> -> memref<16x128xf32, #tpu.memory_space<vmem_shared>>
    tpu.enqueue_dma source(%arg7 : memref<16x128xf32, #tpu.memory_space<vmem>>) target(%dma_start3A_241 : memref<16x128xf32, #tpu.memory_space<vmem_shared>>) target_semaphore(%arg16 : memref<!tpu.dma_semaphore, #tpu.memory_space<semaphore_mem>>)
    %add3A_242 = arith.constant 400 : i32
    %add3A_243 = arith.addi %multiple_of3A, %add3A_242 : i32
    %multiple_of3A_244 = tpu.assume_multiple %add3A_243, 8 : i32
    %dma_start3A_245 = arith.constant 0 : i32
    %dma_start3A_246 = tpu.memref_slice %arg5[%multiple_of3A_244, %dma_start3A_245] : memref<10000x128xf32, #tpu.memory_space<vmem_shared>> -> memref<16x128xf32, #tpu.memory_space<vmem_shared>>
    %dma_start3A_247 = arith.constant 0 : i32
    %dma_start3A_248 = tpu.memref_slice %arg5[%multiple_of3A_244, %dma_start3A_247] : memref<10000x128xf32, #tpu.memory_space<vmem_shared>> -> memref<16x128xf32, #tpu.memory_space<vmem_shared>>
    tpu.enqueue_dma source(%arg7 : memref<16x128xf32, #tpu.memory_space<vmem>>) target(%dma_start3A_248 : memref<16x128xf32, #tpu.memory_space<vmem_shared>>) target_semaphore(%arg16 : memref<!tpu.dma_semaphore, #tpu.memory_space<semaphore_mem>>)
    %add3A_249 = arith.constant 416 : i32
    %add3A_250 = arith.addi %multiple_of3A, %add3A_249 : i32
    %multiple_of3A_251 = tpu.assume_multiple %add3A_250, 8 : i32
    %dma_start3A_252 = arith.constant 0 : i32
    %dma_start3A_253 = tpu.memref_slice %arg5[%multiple_of3A_251, %dma_start3A_252] : memref<10000x128xf32, #tpu.memory_space<vmem_shared>> -> memref<16x128xf32, #tpu.memory_space<vmem_shared>>
    %dma_start3A_254 = arith.constant 0 : i32
    %dma_start3A_255 = tpu.memref_slice %arg5[%multiple_of3A_251, %dma_start3A_254] : memref<10000x128xf32, #tpu.memory_space<vmem_shared>> -> memref<16x128xf32, #tpu.memory_space<vmem_shared>>
    tpu.enqueue_dma source(%arg7 : memref<16x128xf32, #tpu.memory_space<vmem>>) target(%dma_start3A_255 : memref<16x128xf32, #tpu.memory_space<vmem_shared>>) target_semaphore(%arg16 : memref<!tpu.dma_semaphore, #tpu.memory_space<semaphore_mem>>)
    %add3A_256 = arith.constant 432 : i32
    %add3A_257 = arith.addi %multiple_of3A, %add3A_256 : i32
    %multiple_of3A_258 = tpu.assume_multiple %add3A_257, 8 : i32
    %dma_start3A_259 = arith.constant 0 : i32
    %dma_start3A_260 = tpu.memref_slice %arg5[%multiple_of3A_258, %dma_start3A_259] : memref<10000x128xf32, #tpu.memory_space<vmem_shared>> -> memref<16x128xf32, #tpu.memory_space<vmem_shared>>
    %dma_start3A_261 = arith.constant 0 : i32
    %dma_start3A_262 = tpu.memref_slice %arg5[%multiple_of3A_258, %dma_start3A_261] : memref<10000x128xf32, #tpu.memory_space<vmem_shared>> -> memref<16x128xf32, #tpu.memory_space<vmem_shared>>
    tpu.enqueue_dma source(%arg7 : memref<16x128xf32, #tpu.memory_space<vmem>>) target(%dma_start3A_262 : memref<16x128xf32, #tpu.memory_space<vmem_shared>>) target_semaphore(%arg16 : memref<!tpu.dma_semaphore, #tpu.memory_space<semaphore_mem>>)
    %add3A_263 = arith.constant 448 : i32
    %add3A_264 = arith.addi %multiple_of3A, %add3A_263 : i32
    %multiple_of3A_265 = tpu.assume_multiple %add3A_264, 8 : i32
    %dma_start3A_266 = arith.constant 0 : i32
    %dma_start3A_267 = tpu.memref_slice %arg5[%multiple_of3A_265, %dma_start3A_266] : memref<10000x128xf32, #tpu.memory_space<vmem_shared>> -> memref<16x128xf32, #tpu.memory_space<vmem_shared>>
    %dma_start3A_268 = arith.constant 0 : i32
    %dma_start3A_269 = tpu.memref_slice %arg5[%multiple_of3A_265, %dma_start3A_268] : memref<10000x128xf32, #tpu.memory_space<vmem_shared>> -> memref<16x128xf32, #tpu.memory_space<vmem_shared>>
    tpu.enqueue_dma source(%arg7 : memref<16x128xf32, #tpu.memory_space<vmem>>) target(%dma_start3A_269 : memref<16x128xf32, #tpu.memory_space<vmem_shared>>) target_semaphore(%arg16 : memref<!tpu.dma_semaphore, #tpu.memory_space<semaphore_mem>>)
    %add3A_270 = arith.constant 464 : i32
    %add3A_271 = arith.addi %multiple_of3A, %add3A_270 : i32
    %multiple_of3A_272 = tpu.assume_multiple %add3A_271, 8 : i32
    %dma_start3A_273 = arith.constant 0 : i32
    %dma_start3A_274 = tpu.memref_slice %arg5[%multiple_of3A_272, %dma_start3A_273] : memref<10000x128xf32, #tpu.memory_space<vmem_shared>> -> memref<16x128xf32, #tpu.memory_space<vmem_shared>>
    %dma_start3A_275 = arith.constant 0 : i32
    %dma_start3A_276 = tpu.memref_slice %arg5[%multiple_of3A_272, %dma_start3A_275] : memref<10000x128xf32, #tpu.memory_space<vmem_shared>> -> memref<16x128xf32, #tpu.memory_space<vmem_shared>>
    tpu.enqueue_dma source(%arg7 : memref<16x128xf32, #tpu.memory_space<vmem>>) target(%dma_start3A_276 : memref<16x128xf32, #tpu.memory_space<vmem_shared>>) target_semaphore(%arg16 : memref<!tpu.dma_semaphore, #tpu.memory_space<semaphore_mem>>)
    %add3A_277 = arith.constant 480 : i32
    %add3A_278 = arith.addi %multiple_of3A, %add3A_277 : i32
    %multiple_of3A_279 = tpu.assume_multiple %add3A_278, 8 : i32
    %dma_start3A_280 = arith.constant 0 : i32
    %dma_start3A_281 = tpu.memref_slice %arg5[%multiple_of3A_279, %dma_start3A_280] : memref<10000x128xf32, #tpu.memory_space<vmem_shared>> -> memref<16x128xf32, #tpu.memory_space<vmem_shared>>
    %dma_start3A_282 = arith.constant 0 : i32
    %dma_start3A_283 = tpu.memref_slice %arg5[%multiple_of3A_279, %dma_start3A_282] : memref<10000x128xf32, #tpu.memory_space<vmem_shared>> -> memref<16x128xf32, #tpu.memory_space<vmem_shared>>
    tpu.enqueue_dma source(%arg7 : memref<16x128xf32, #tpu.memory_space<vmem>>) target(%dma_start3A_283 : memref<16x128xf32, #tpu.memory_space<vmem_shared>>) target_semaphore(%arg16 : memref<!tpu.dma_semaphore, #tpu.memory_space<semaphore_mem>>)
    %add3A_284 = arith.constant 496 : i32
    %add3A_285 = arith.addi %multiple_of3A, %add3A_284 : i32
    %multiple_of3A_286 = tpu.assume_multiple %add3A_285, 8 : i32
    %dma_start3A_287 = arith.constant 0 : i32
    %dma_start3A_288 = tpu.memref_slice %arg5[%multiple_of3A_286, %dma_start3A_287] : memref<10000x128xf32, #tpu.memory_space<vmem_shared>> -> memref<16x128xf32, #tpu.memory_space<vmem_shared>>
    %dma_start3A_289 = arith.constant 0 : i32
    %dma_start3A_290 = tpu.memref_slice %arg5[%multiple_of3A_286, %dma_start3A_289] : memref<10000x128xf32, #tpu.memory_space<vmem_shared>> -> memref<16x128xf32, #tpu.memory_space<vmem_shared>>
    tpu.enqueue_dma source(%arg7 : memref<16x128xf32, #tpu.memory_space<vmem>>) target(%dma_start3A_290 : memref<16x128xf32, #tpu.memory_space<vmem_shared>>) target_semaphore(%arg16 : memref<!tpu.dma_semaphore, #tpu.memory_space<semaphore_mem>>)
    %add3A_291 = arith.constant 512 : i32
    %add3A_292 = arith.addi %multiple_of3A, %add3A_291 : i32
    %multiple_of3A_293 = tpu.assume_multiple %add3A_292, 8 : i32
    %dma_start3A_294 = arith.constant 0 : i32
    %dma_start3A_295 = tpu.memref_slice %arg5[%multiple_of3A_293, %dma_start3A_294] : memref<10000x128xf32, #tpu.memory_space<vmem_shared>> -> memref<16x128xf32, #tpu.memory_space<vmem_shared>>
    %dma_start3A_296 = arith.constant 0 : i32
    %dma_start3A_297 = tpu.memref_slice %arg5[%multiple_of3A_293, %dma_start3A_296] : memref<10000x128xf32, #tpu.memory_space<vmem_shared>> -> memref<16x128xf32, #tpu.memory_space<vmem_shared>>
    tpu.enqueue_dma source(%arg7 : memref<16x128xf32, #tpu.memory_space<vmem>>) target(%dma_start3A_297 : memref<16x128xf32, #tpu.memory_space<vmem_shared>>) target_semaphore(%arg16 : memref<!tpu.dma_semaphore, #tpu.memory_space<semaphore_mem>>)
    %add3A_298 = arith.constant 528 : i32
    %add3A_299 = arith.addi %multiple_of3A, %add3A_298 : i32
    %multiple_of3A_300 = tpu.assume_multiple %add3A_299, 8 : i32
    %dma_start3A_301 = arith.constant 0 : i32
    %dma_start3A_302 = tpu.memref_slice %arg5[%multiple_of3A_300, %dma_start3A_301] : memref<10000x128xf32, #tpu.memory_space<vmem_shared>> -> memref<16x128xf32, #tpu.memory_space<vmem_shared>>
    %dma_start3A_303 = arith.constant 0 : i32
    %dma_start3A_304 = tpu.memref_slice %arg5[%multiple_of3A_300, %dma_start3A_303] : memref<10000x128xf32, #tpu.memory_space<vmem_shared>> -> memref<16x128xf32, #tpu.memory_space<vmem_shared>>
    tpu.enqueue_dma source(%arg7 : memref<16x128xf32, #tpu.memory_space<vmem>>) target(%dma_start3A_304 : memref<16x128xf32, #tpu.memory_space<vmem_shared>>) target_semaphore(%arg16 : memref<!tpu.dma_semaphore, #tpu.memory_space<semaphore_mem>>)
    %add3A_305 = arith.constant 544 : i32
    %add3A_306 = arith.addi %multiple_of3A, %add3A_305 : i32
    %multiple_of3A_307 = tpu.assume_multiple %add3A_306, 8 : i32
    %dma_start3A_308 = arith.constant 0 : i32
    %dma_start3A_309 = tpu.memref_slice %arg5[%multiple_of3A_307, %dma_start3A_308] : memref<10000x128xf32, #tpu.memory_space<vmem_shared>> -> memref<16x128xf32, #tpu.memory_space<vmem_shared>>
    %dma_start3A_310 = arith.constant 0 : i32
    %dma_start3A_311 = tpu.memref_slice %arg5[%multiple_of3A_307, %dma_start3A_310] : memref<10000x128xf32, #tpu.memory_space<vmem_shared>> -> memref<16x128xf32, #tpu.memory_space<vmem_shared>>
    tpu.enqueue_dma source(%arg7 : memref<16x128xf32, #tpu.memory_space<vmem>>) target(%dma_start3A_311 : memref<16x128xf32, #tpu.memory_space<vmem_shared>>) target_semaphore(%arg16 : memref<!tpu.dma_semaphore, #tpu.memory_space<semaphore_mem>>)
    %add3A_312 = arith.constant 560 : i32
    %add3A_313 = arith.addi %multiple_of3A, %add3A_312 : i32
    %multiple_of3A_314 = tpu.assume_multiple %add3A_313, 8 : i32
    %dma_start3A_315 = arith.constant 0 : i32
    %dma_start3A_316 = tpu.memref_slice %arg5[%multiple_of3A_314, %dma_start3A_315] : memref<10000x128xf32, #tpu.memory_space<vmem_shared>> -> memref<16x128xf32, #tpu.memory_space<vmem_shared>>
    %dma_start3A_317 = arith.constant 0 : i32
    %dma_start3A_318 = tpu.memref_slice %arg5[%multiple_of3A_314, %dma_start3A_317] : memref<10000x128xf32, #tpu.memory_space<vmem_shared>> -> memref<16x128xf32, #tpu.memory_space<vmem_shared>>
    tpu.enqueue_dma source(%arg7 : memref<16x128xf32, #tpu.memory_space<vmem>>) target(%dma_start3A_318 : memref<16x128xf32, #tpu.memory_space<vmem_shared>>) target_semaphore(%arg16 : memref<!tpu.dma_semaphore, #tpu.memory_space<semaphore_mem>>)
    %add3A_319 = arith.constant 576 : i32
    %add3A_320 = arith.addi %multiple_of3A, %add3A_319 : i32
    %multiple_of3A_321 = tpu.assume_multiple %add3A_320, 8 : i32
    %dma_start3A_322 = arith.constant 0 : i32
    %dma_start3A_323 = tpu.memref_slice %arg5[%multiple_of3A_321, %dma_start3A_322] : memref<10000x128xf32, #tpu.memory_space<vmem_shared>> -> memref<16x128xf32, #tpu.memory_space<vmem_shared>>
    %dma_start3A_324 = arith.constant 0 : i32
    %dma_start3A_325 = tpu.memref_slice %arg5[%multiple_of3A_321, %dma_start3A_324] : memref<10000x128xf32, #tpu.memory_space<vmem_shared>> -> memref<16x128xf32, #tpu.memory_space<vmem_shared>>
    tpu.enqueue_dma source(%arg7 : memref<16x128xf32, #tpu.memory_space<vmem>>) target(%dma_start3A_325 : memref<16x128xf32, #tpu.memory_space<vmem_shared>>) target_semaphore(%arg16 : memref<!tpu.dma_semaphore, #tpu.memory_space<semaphore_mem>>)
    %add3A_326 = arith.constant 592 : i32
    %add3A_327 = arith.addi %multiple_of3A, %add3A_326 : i32
    %multiple_of3A_328 = tpu.assume_multiple %add3A_327, 8 : i32
    %dma_start3A_329 = arith.constant 0 : i32
    %dma_start3A_330 = tpu.memref_slice %arg5[%multiple_of3A_328, %dma_start3A_329] : memref<10000x128xf32, #tpu.memory_space<vmem_shared>> -> memref<16x128xf32, #tpu.memory_space<vmem_shared>>
    %dma_start3A_331 = arith.constant 0 : i32
    %dma_start3A_332 = tpu.memref_slice %arg5[%multiple_of3A_328, %dma_start3A_331] : memref<10000x128xf32, #tpu.memory_space<vmem_shared>> -> memref<16x128xf32, #tpu.memory_space<vmem_shared>>
    tpu.enqueue_dma source(%arg7 : memref<16x128xf32, #tpu.memory_space<vmem>>) target(%dma_start3A_332 : memref<16x128xf32, #tpu.memory_space<vmem_shared>>) target_semaphore(%arg16 : memref<!tpu.dma_semaphore, #tpu.memory_space<semaphore_mem>>)
    %add3A_333 = arith.constant 608 : i32
    %add3A_334 = arith.addi %multiple_of3A, %add3A_333 : i32
    %multiple_of3A_335 = tpu.assume_multiple %add3A_334, 8 : i32
    %dma_start3A_336 = arith.constant 0 : i32
    %dma_start3A_337 = tpu.memref_slice %arg5[%multiple_of3A_335, %dma_start3A_336] : memref<10000x128xf32, #tpu.memory_space<vmem_shared>> -> memref<16x128xf32, #tpu.memory_space<vmem_shared>>
    %dma_start3A_338 = arith.constant 0 : i32
    %dma_start3A_339 = tpu.memref_slice %arg5[%multiple_of3A_335, %dma_start3A_338] : memref<10000x128xf32, #tpu.memory_space<vmem_shared>> -> memref<16x128xf32, #tpu.memory_space<vmem_shared>>
    tpu.enqueue_dma source(%arg7 : memref<16x128xf32, #tpu.memory_space<vmem>>) target(%dma_start3A_339 : memref<16x128xf32, #tpu.memory_space<vmem_shared>>) target_semaphore(%arg16 : memref<!tpu.dma_semaphore, #tpu.memory_space<semaphore_mem>>)
    %add3A_340 = arith.constant 624 : i32
    %add3A_341 = arith.addi %multiple_of3A, %add3A_340 : i32
    %multiple_of3A_342 = tpu.assume_multiple %add3A_341, 8 : i32
    %dma_start3A_343 = arith.constant 0 : i32
    %dma_start3A_344 = tpu.memref_slice %arg5[%multiple_of3A_342, %dma_start3A_343] : memref<10000x128xf32, #tpu.memory_space<vmem_shared>> -> memref<16x128xf32, #tpu.memory_space<vmem_shared>>
    %dma_start3A_345 = arith.constant 0 : i32
    %dma_start3A_346 = tpu.memref_slice %arg5[%multiple_of3A_342, %dma_start3A_345] : memref<10000x128xf32, #tpu.memory_space<vmem_shared>> -> memref<16x128xf32, #tpu.memory_space<vmem_shared>>
    tpu.enqueue_dma source(%arg7 : memref<16x128xf32, #tpu.memory_space<vmem>>) target(%dma_start3A_346 : memref<16x128xf32, #tpu.memory_space<vmem_shared>>) target_semaphore(%arg16 : memref<!tpu.dma_semaphore, #tpu.memory_space<semaphore_mem>>)
    %dma_wait3A = arith.constant 0 : i32
    %dma_wait3A_347 = tpu.memref_slice %arg5[%multiple_of3A, %dma_wait3A] : memref<10000x128xf32, #tpu.memory_space<vmem_shared>> -> memref<16x128xf32, #tpu.memory_space<vmem_shared>>
    %dma_wait3A_348 = arith.constant 0 : i32
    %dma_wait3A_349 = tpu.memref_slice %arg5[%multiple_of3A, %dma_wait3A_348] : memref<10000x128xf32, #tpu.memory_space<vmem_shared>> -> memref<16x128xf32, #tpu.memory_space<vmem_shared>>
    tpu.wait_dma2 semaphore(%arg16 : memref<!tpu.dma_semaphore, #tpu.memory_space<semaphore_mem>>) src(%arg7 : memref<16x128xf32, #tpu.memory_space<vmem>>) dst(%dma_wait3A_349 : memref<16x128xf32, #tpu.memory_space<vmem_shared>>)
    %dma_wait3A_350 = arith.constant 0 : i32
    %dma_wait3A_351 = tpu.memref_slice %arg5[%multiple_of3A, %dma_wait3A_350] : memref<10000x128xf32, #tpu.memory_space<vmem_shared>> -> memref<16x128xf32, #tpu.memory_space<vmem_shared>>
    %dma_wait3A_352 = arith.constant 0 : i32
    %dma_wait3A_353 = tpu.memref_slice %arg5[%multiple_of3A, %dma_wait3A_352] : memref<10000x128xf32, #tpu.memory_space<vmem_shared>> -> memref<16x128xf32, #tpu.memory_space<vmem_shared>>
    tpu.wait_dma2 semaphore(%arg16 : memref<!tpu.dma_semaphore, #tpu.memory_space<semaphore_mem>>) src(%arg7 : memref<16x128xf32, #tpu.memory_space<vmem>>) dst(%dma_wait3A_353 : memref<16x128xf32, #tpu.memory_space<vmem_shared>>)
    %dma_wait3A_354 = arith.constant 0 : i32
    %dma_wait3A_355 = tpu.memref_slice %arg5[%multiple_of3A, %dma_wait3A_354] : memref<10000x128xf32, #tpu.memory_space<vmem_shared>> -> memref<16x128xf32, #tpu.memory_space<vmem_shared>>
    %dma_wait3A_356 = arith.constant 0 : i32
    %dma_wait3A_357 = tpu.memref_slice %arg5[%multiple_of3A, %dma_wait3A_356] : memref<10000x128xf32, #tpu.memory_space<vmem_shared>> -> memref<16x128xf32, #tpu.memory_space<vmem_shared>>
    tpu.wait_dma2 semaphore(%arg16 : memref<!tpu.dma_semaphore, #tpu.memory_space<semaphore_mem>>) src(%arg7 : memref<16x128xf32, #tpu.memory_space<vmem>>) dst(%dma_wait3A_357 : memref<16x128xf32, #tpu.memory_space<vmem_shared>>)
    %dma_wait3A_358 = arith.constant 0 : i32
    %dma_wait3A_359 = tpu.memref_slice %arg5[%multiple_of3A, %dma_wait3A_358] : memref<10000x128xf32, #tpu.memory_space<vmem_shared>> -> memref<16x128xf32, #tpu.memory_space<vmem_shared>>
    %dma_wait3A_360 = arith.constant 0 : i32
    %dma_wait3A_361 = tpu.memref_slice %arg5[%multiple_of3A, %dma_wait3A_360] : memref<10000x128xf32, #tpu.memory_space<vmem_shared>> -> memref<16x128xf32, #tpu.memory_space<vmem_shared>>
    tpu.wait_dma2 semaphore(%arg16 : memref<!tpu.dma_semaphore, #tpu.memory_space<semaphore_mem>>) src(%arg7 : memref<16x128xf32, #tpu.memory_space<vmem>>) dst(%dma_wait3A_361 : memref<16x128xf32, #tpu.memory_space<vmem_shared>>)
    %dma_wait3A_362 = arith.constant 0 : i32
    %dma_wait3A_363 = tpu.memref_slice %arg5[%multiple_of3A, %dma_wait3A_362] : memref<10000x128xf32, #tpu.memory_space<vmem_shared>> -> memref<16x128xf32, #tpu.memory_space<vmem_shared>>
    %dma_wait3A_364 = arith.constant 0 : i32
    %dma_wait3A_365 = tpu.memref_slice %arg5[%multiple_of3A, %dma_wait3A_364] : memref<10000x128xf32, #tpu.memory_space<vmem_shared>> -> memref<16x128xf32, #tpu.memory_space<vmem_shared>>
    tpu.wait_dma2 semaphore(%arg16 : memref<!tpu.dma_semaphore, #tpu.memory_space<semaphore_mem>>) src(%arg7 : memref<16x128xf32, #tpu.memory_space<vmem>>) dst(%dma_wait3A_365 : memref<16x128xf32, #tpu.memory_space<vmem_shared>>)
    %dma_wait3A_366 = arith.constant 0 : i32
    %dma_wait3A_367 = tpu.memref_slice %arg5[%multiple_of3A, %dma_wait3A_366] : memref<10000x128xf32, #tpu.memory_space<vmem_shared>> -> memref<16x128xf32, #tpu.memory_space<vmem_shared>>
    %dma_wait3A_368 = arith.constant 0 : i32
    %dma_wait3A_369 = tpu.memref_slice %arg5[%multiple_of3A, %dma_wait3A_368] : memref<10000x128xf32, #tpu.memory_space<vmem_shared>> -> memref<16x128xf32, #tpu.memory_space<vmem_shared>>
    tpu.wait_dma2 semaphore(%arg16 : memref<!tpu.dma_semaphore, #tpu.memory_space<semaphore_mem>>) src(%arg7 : memref<16x128xf32, #tpu.memory_space<vmem>>) dst(%dma_wait3A_369 : memref<16x128xf32, #tpu.memory_space<vmem_shared>>)
    %dma_wait3A_370 = arith.constant 0 : i32
    %dma_wait3A_371 = tpu.memref_slice %arg5[%multiple_of3A, %dma_wait3A_370] : memref<10000x128xf32, #tpu.memory_space<vmem_shared>> -> memref<16x128xf32, #tpu.memory_space<vmem_shared>>
    %dma_wait3A_372 = arith.constant 0 : i32
    %dma_wait3A_373 = tpu.memref_slice %arg5[%multiple_of3A, %dma_wait3A_372] : memref<10000x128xf32, #tpu.memory_space<vmem_shared>> -> memref<16x128xf32, #tpu.memory_space<vmem_shared>>
    tpu.wait_dma2 semaphore(%arg16 : memref<!tpu.dma_semaphore, #tpu.memory_space<semaphore_mem>>) src(%arg7 : memref<16x128xf32, #tpu.memory_space<vmem>>) dst(%dma_wait3A_373 : memref<16x128xf32, #tpu.memory_space<vmem_shared>>)
    %dma_wait3A_374 = arith.constant 0 : i32
    %dma_wait3A_375 = tpu.memref_slice %arg5[%multiple_of3A, %dma_wait3A_374] : memref<10000x128xf32, #tpu.memory_space<vmem_shared>> -> memref<16x128xf32, #tpu.memory_space<vmem_shared>>
    %dma_wait3A_376 = arith.constant 0 : i32
    %dma_wait3A_377 = tpu.memref_slice %arg5[%multiple_of3A, %dma_wait3A_376] : memref<10000x128xf32, #tpu.memory_space<vmem_shared>> -> memref<16x128xf32, #tpu.memory_space<vmem_shared>>
    tpu.wait_dma2 semaphore(%arg16 : memref<!tpu.dma_semaphore, #tpu.memory_space<semaphore_mem>>) src(%arg7 : memref<16x128xf32, #tpu.memory_space<vmem>>) dst(%dma_wait3A_377 : memref<16x128xf32, #tpu.memory_space<vmem_shared>>)
    %dma_wait3A_378 = arith.constant 0 : i32
    %dma_wait3A_379 = tpu.memref_slice %arg5[%multiple_of3A, %dma_wait3A_378] : memref<10000x128xf32, #tpu.memory_space<vmem_shared>> -> memref<16x128xf32, #tpu.memory_space<vmem_shared>>
    %dma_wait3A_380 = arith.constant 0 : i32
    %dma_wait3A_381 = tpu.memref_slice %arg5[%multiple_of3A, %dma_wait3A_380] : memref<10000x128xf32, #tpu.memory_space<vmem_shared>> -> memref<16x128xf32, #tpu.memory_space<vmem_shared>>
    tpu.wait_dma2 semaphore(%arg16 : memref<!tpu.dma_semaphore, #tpu.memory_space<semaphore_mem>>) src(%arg7 : memref<16x128xf32, #tpu.memory_space<vmem>>) dst(%dma_wait3A_381 : memref<16x128xf32, #tpu.memory_space<vmem_shared>>)
    %dma_wait3A_382 = arith.constant 0 : i32
    %dma_wait3A_383 = tpu.memref_slice %arg5[%multiple_of3A, %dma_wait3A_382] : memref<10000x128xf32, #tpu.memory_space<vmem_shared>> -> memref<16x128xf32, #tpu.memory_space<vmem_shared>>
    %dma_wait3A_384 = arith.constant 0 : i32
    %dma_wait3A_385 = tpu.memref_slice %arg5[%multiple_of3A, %dma_wait3A_384] : memref<10000x128xf32, #tpu.memory_space<vmem_shared>> -> memref<16x128xf32, #tpu.memory_space<vmem_shared>>
    tpu.wait_dma2 semaphore(%arg16 : memref<!tpu.dma_semaphore, #tpu.memory_space<semaphore_mem>>) src(%arg7 : memref<16x128xf32, #tpu.memory_space<vmem>>) dst(%dma_wait3A_385 : memref<16x128xf32, #tpu.memory_space<vmem_shared>>)
    %dma_wait3A_386 = arith.constant 0 : i32
    %dma_wait3A_387 = tpu.memref_slice %arg5[%multiple_of3A, %dma_wait3A_386] : memref<10000x128xf32, #tpu.memory_space<vmem_shared>> -> memref<16x128xf32, #tpu.memory_space<vmem_shared>>
    %dma_wait3A_388 = arith.constant 0 : i32
    %dma_wait3A_389 = tpu.memref_slice %arg5[%multiple_of3A, %dma_wait3A_388] : memref<10000x128xf32, #tpu.memory_space<vmem_shared>> -> memref<16x128xf32, #tpu.memory_space<vmem_shared>>
    tpu.wait_dma2 semaphore(%arg16 : memref<!tpu.dma_semaphore, #tpu.memory_space<semaphore_mem>>) src(%arg7 : memref<16x128xf32, #tpu.memory_space<vmem>>) dst(%dma_wait3A_389 : memref<16x128xf32, #tpu.memory_space<vmem_shared>>)
    %dma_wait3A_390 = arith.constant 0 : i32
    %dma_wait3A_391 = tpu.memref_slice %arg5[%multiple_of3A, %dma_wait3A_390] : memref<10000x128xf32, #tpu.memory_space<vmem_shared>> -> memref<16x128xf32, #tpu.memory_space<vmem_shared>>
    %dma_wait3A_392 = arith.constant 0 : i32
    %dma_wait3A_393 = tpu.memref_slice %arg5[%multiple_of3A, %dma_wait3A_392] : memref<10000x128xf32, #tpu.memory_space<vmem_shared>> -> memref<16x128xf32, #tpu.memory_space<vmem_shared>>
    tpu.wait_dma2 semaphore(%arg16 : memref<!tpu.dma_semaphore, #tpu.memory_space<semaphore_mem>>) src(%arg7 : memref<16x128xf32, #tpu.memory_space<vmem>>) dst(%dma_wait3A_393 : memref<16x128xf32, #tpu.memory_space<vmem_shared>>)
    %dma_wait3A_394 = arith.constant 0 : i32
    %dma_wait3A_395 = tpu.memref_slice %arg5[%multiple_of3A, %dma_wait3A_394] : memref<10000x128xf32, #tpu.memory_space<vmem_shared>> -> memref<16x128xf32, #tpu.memory_space<vmem_shared>>
    %dma_wait3A_396 = arith.constant 0 : i32
    %dma_wait3A_397 = tpu.memref_slice %arg5[%multiple_of3A, %dma_wait3A_396] : memref<10000x128xf32, #tpu.memory_space<vmem_shared>> -> memref<16x128xf32, #tpu.memory_space<vmem_shared>>
    tpu.wait_dma2 semaphore(%arg16 : memref<!tpu.dma_semaphore, #tpu.memory_space<semaphore_mem>>) src(%arg7 : memref<16x128xf32, #tpu.memory_space<vmem>>) dst(%dma_wait3A_397 : memref<16x128xf32, #tpu.memory_space<vmem_shared>>)
    %dma_wait3A_398 = arith.constant 0 : i32
    %dma_wait3A_399 = tpu.memref_slice %arg5[%multiple_of3A, %dma_wait3A_398] : memref<10000x128xf32, #tpu.memory_space<vmem_shared>> -> memref<16x128xf32, #tpu.memory_space<vmem_shared>>
    %dma_wait3A_400 = arith.constant 0 : i32
    %dma_wait3A_401 = tpu.memref_slice %arg5[%multiple_of3A, %dma_wait3A_400] : memref<10000x128xf32, #tpu.memory_space<vmem_shared>> -> memref<16x128xf32, #tpu.memory_space<vmem_shared>>
    tpu.wait_dma2 semaphore(%arg16 : memref<!tpu.dma_semaphore, #tpu.memory_space<semaphore_mem>>) src(%arg7 : memref<16x128xf32, #tpu.memory_space<vmem>>) dst(%dma_wait3A_401 : memref<16x128xf32, #tpu.memory_space<vmem_shared>>)
    %dma_wait3A_402 = arith.constant 0 : i32
    %dma_wait3A_403 = tpu.memref_slice %arg5[%multiple_of3A, %dma_wait3A_402] : memref<10000x128xf32, #tpu.memory_space<vmem_shared>> -> memref<16x128xf32, #tpu.memory_space<vmem_shared>>
    %dma_wait3A_404 = arith.constant 0 : i32
    %dma_wait3A_405 = tpu.memref_slice %arg5[%multiple_of3A, %dma_wait3A_404] : memref<10000x128xf32, #tpu.memory_space<vmem_shared>> -> memref<16x128xf32, #tpu.memory_space<vmem_shared>>
    tpu.wait_dma2 semaphore(%arg16 : memref<!tpu.dma_semaphore, #tpu.memory_space<semaphore_mem>>) src(%arg7 : memref<16x128xf32, #tpu.memory_space<vmem>>) dst(%dma_wait3A_405 : memref<16x128xf32, #tpu.memory_space<vmem_shared>>)
    %dma_wait3A_406 = arith.constant 0 : i32
    %dma_wait3A_407 = tpu.memref_slice %arg5[%multiple_of3A, %dma_wait3A_406] : memref<10000x128xf32, #tpu.memory_space<vmem_shared>> -> memref<16x128xf32, #tpu.memory_space<vmem_shared>>
    %dma_wait3A_408 = arith.constant 0 : i32
    %dma_wait3A_409 = tpu.memref_slice %arg5[%multiple_of3A, %dma_wait3A_408] : memref<10000x128xf32, #tpu.memory_space<vmem_shared>> -> memref<16x128xf32, #tpu.memory_space<vmem_shared>>
    tpu.wait_dma2 semaphore(%arg16 : memref<!tpu.dma_semaphore, #tpu.memory_space<semaphore_mem>>) src(%arg7 : memref<16x128xf32, #tpu.memory_space<vmem>>) dst(%dma_wait3A_409 : memref<16x128xf32, #tpu.memory_space<vmem_shared>>)
    %dma_wait3A_410 = arith.constant 0 : i32
    %dma_wait3A_411 = tpu.memref_slice %arg5[%multiple_of3A, %dma_wait3A_410] : memref<10000x128xf32, #tpu.memory_space<vmem_shared>> -> memref<16x128xf32, #tpu.memory_space<vmem_shared>>
    %dma_wait3A_412 = arith.constant 0 : i32
    %dma_wait3A_413 = tpu.memref_slice %arg5[%multiple_of3A, %dma_wait3A_412] : memref<10000x128xf32, #tpu.memory_space<vmem_shared>> -> memref<16x128xf32, #tpu.memory_space<vmem_shared>>
    tpu.wait_dma2 semaphore(%arg16 : memref<!tpu.dma_semaphore, #tpu.memory_space<semaphore_mem>>) src(%arg7 : memref<16x128xf32, #tpu.memory_space<vmem>>) dst(%dma_wait3A_413 : memref<16x128xf32, #tpu.memory_space<vmem_shared>>)
    %dma_wait3A_414 = arith.constant 0 : i32
    %dma_wait3A_415 = tpu.memref_slice %arg5[%multiple_of3A, %dma_wait3A_414] : memref<10000x128xf32, #tpu.memory_space<vmem_shared>> -> memref<16x128xf32, #tpu.memory_space<vmem_shared>>
    %dma_wait3A_416 = arith.constant 0 : i32
    %dma_wait3A_417 = tpu.memref_slice %arg5[%multiple_of3A, %dma_wait3A_416] : memref<10000x128xf32, #tpu.memory_space<vmem_shared>> -> memref<16x128xf32, #tpu.memory_space<vmem_shared>>
    tpu.wait_dma2 semaphore(%arg16 : memref<!tpu.dma_semaphore, #tpu.memory_space<semaphore_mem>>) src(%arg7 : memref<16x128xf32, #tpu.memory_space<vmem>>) dst(%dma_wait3A_417 : memref<16x128xf32, #tpu.memory_space<vmem_shared>>)
    %dma_wait3A_418 = arith.constant 0 : i32
    %dma_wait3A_419 = tpu.memref_slice %arg5[%multiple_of3A, %dma_wait3A_418] : memref<10000x128xf32, #tpu.memory_space<vmem_shared>> -> memref<16x128xf32, #tpu.memory_space<vmem_shared>>
    %dma_wait3A_420 = arith.constant 0 : i32
    %dma_wait3A_421 = tpu.memref_slice %arg5[%multiple_of3A, %dma_wait3A_420] : memref<10000x128xf32, #tpu.memory_space<vmem_shared>> -> memref<16x128xf32, #tpu.memory_space<vmem_shared>>
    tpu.wait_dma2 semaphore(%arg16 : memref<!tpu.dma_semaphore, #tpu.memory_space<semaphore_mem>>) src(%arg7 : memref<16x128xf32, #tpu.memory_space<vmem>>) dst(%dma_wait3A_421 : memref<16x128xf32, #tpu.memory_space<vmem_shared>>)
    %dma_wait3A_422 = arith.constant 0 : i32
    %dma_wait3A_423 = tpu.memref_slice %arg5[%multiple_of3A, %dma_wait3A_422] : memref<10000x128xf32, #tpu.memory_space<vmem_shared>> -> memref<16x128xf32, #tpu.memory_space<vmem_shared>>
    %dma_wait3A_424 = arith.constant 0 : i32
    %dma_wait3A_425 = tpu.memref_slice %arg5[%multiple_of3A, %dma_wait3A_424] : memref<10000x128xf32, #tpu.memory_space<vmem_shared>> -> memref<16x128xf32, #tpu.memory_space<vmem_shared>>
    tpu.wait_dma2 semaphore(%arg16 : memref<!tpu.dma_semaphore, #tpu.memory_space<semaphore_mem>>) src(%arg7 : memref<16x128xf32, #tpu.memory_space<vmem>>) dst(%dma_wait3A_425 : memref<16x128xf32, #tpu.memory_space<vmem_shared>>)
    %dma_wait3A_426 = arith.constant 0 : i32
    %dma_wait3A_427 = tpu.memref_slice %arg5[%multiple_of3A, %dma_wait3A_426] : memref<10000x128xf32, #tpu.memory_space<vmem_shared>> -> memref<16x128xf32, #tpu.memory_space<vmem_shared>>
    %dma_wait3A_428 = arith.constant 0 : i32
    %dma_wait3A_429 = tpu.memref_slice %arg5[%multiple_of3A, %dma_wait3A_428] : memref<10000x128xf32, #tpu.memory_space<vmem_shared>> -> memref<16x128xf32, #tpu.memory_space<vmem_shared>>
    tpu.wait_dma2 semaphore(%arg16 : memref<!tpu.dma_semaphore, #tpu.memory_space<semaphore_mem>>) src(%arg7 : memref<16x128xf32, #tpu.memory_space<vmem>>) dst(%dma_wait3A_429 : memref<16x128xf32, #tpu.memory_space<vmem_shared>>)
    %dma_wait3A_430 = arith.constant 0 : i32
    %dma_wait3A_431 = tpu.memref_slice %arg5[%multiple_of3A, %dma_wait3A_430] : memref<10000x128xf32, #tpu.memory_space<vmem_shared>> -> memref<16x128xf32, #tpu.memory_space<vmem_shared>>
    %dma_wait3A_432 = arith.constant 0 : i32
    %dma_wait3A_433 = tpu.memref_slice %arg5[%multiple_of3A, %dma_wait3A_432] : memref<10000x128xf32, #tpu.memory_space<vmem_shared>> -> memref<16x128xf32, #tpu.memory_space<vmem_shared>>
    tpu.wait_dma2 semaphore(%arg16 : memref<!tpu.dma_semaphore, #tpu.memory_space<semaphore_mem>>) src(%arg7 : memref<16x128xf32, #tpu.memory_space<vmem>>) dst(%dma_wait3A_433 : memref<16x128xf32, #tpu.memory_space<vmem_shared>>)
    %dma_wait3A_434 = arith.constant 0 : i32
    %dma_wait3A_435 = tpu.memref_slice %arg5[%multiple_of3A, %dma_wait3A_434] : memref<10000x128xf32, #tpu.memory_space<vmem_shared>> -> memref<16x128xf32, #tpu.memory_space<vmem_shared>>
    %dma_wait3A_436 = arith.constant 0 : i32
    %dma_wait3A_437 = tpu.memref_slice %arg5[%multiple_of3A, %dma_wait3A_436] : memref<10000x128xf32, #tpu.memory_space<vmem_shared>> -> memref<16x128xf32, #tpu.memory_space<vmem_shared>>
    tpu.wait_dma2 semaphore(%arg16 : memref<!tpu.dma_semaphore, #tpu.memory_space<semaphore_mem>>) src(%arg7 : memref<16x128xf32, #tpu.memory_space<vmem>>) dst(%dma_wait3A_437 : memref<16x128xf32, #tpu.memory_space<vmem_shared>>)
    %dma_wait3A_438 = arith.constant 0 : i32
    %dma_wait3A_439 = tpu.memref_slice %arg5[%multiple_of3A, %dma_wait3A_438] : memref<10000x128xf32, #tpu.memory_space<vmem_shared>> -> memref<16x128xf32, #tpu.memory_space<vmem_shared>>
    %dma_wait3A_440 = arith.constant 0 : i32
    %dma_wait3A_441 = tpu.memref_slice %arg5[%multiple_of3A, %dma_wait3A_440] : memref<10000x128xf32, #tpu.memory_space<vmem_shared>> -> memref<16x128xf32, #tpu.memory_space<vmem_shared>>
    tpu.wait_dma2 semaphore(%arg16 : memref<!tpu.dma_semaphore, #tpu.memory_space<semaphore_mem>>) src(%arg7 : memref<16x128xf32, #tpu.memory_space<vmem>>) dst(%dma_wait3A_441 : memref<16x128xf32, #tpu.memory_space<vmem_shared>>)
    %dma_wait3A_442 = arith.constant 0 : i32
    %dma_wait3A_443 = tpu.memref_slice %arg5[%multiple_of3A, %dma_wait3A_442] : memref<10000x128xf32, #tpu.memory_space<vmem_shared>> -> memref<16x128xf32, #tpu.memory_space<vmem_shared>>
    %dma_wait3A_444 = arith.constant 0 : i32
    %dma_wait3A_445 = tpu.memref_slice %arg5[%multiple_of3A, %dma_wait3A_444] : memref<10000x128xf32, #tpu.memory_space<vmem_shared>> -> memref<16x128xf32, #tpu.memory_space<vmem_shared>>
    tpu.wait_dma2 semaphore(%arg16 : memref<!tpu.dma_semaphore, #tpu.memory_space<semaphore_mem>>) src(%arg7 : memref<16x128xf32, #tpu.memory_space<vmem>>) dst(%dma_wait3A_445 : memref<16x128xf32, #tpu.memory_space<vmem_shared>>)
    %dma_wait3A_446 = arith.constant 0 : i32
    %dma_wait3A_447 = tpu.memref_slice %arg5[%multiple_of3A, %dma_wait3A_446] : memref<10000x128xf32, #tpu.memory_space<vmem_shared>> -> memref<16x128xf32, #tpu.memory_space<vmem_shared>>
    %dma_wait3A_448 = arith.constant 0 : i32
    %dma_wait3A_449 = tpu.memref_slice %arg5[%multiple_of3A, %dma_wait3A_448] : memref<10000x128xf32, #tpu.memory_space<vmem_shared>> -> memref<16x128xf32, #tpu.memory_space<vmem_shared>>
    tpu.wait_dma2 semaphore(%arg16 : memref<!tpu.dma_semaphore, #tpu.memory_space<semaphore_mem>>) src(%arg7 : memref<16x128xf32, #tpu.memory_space<vmem>>) dst(%dma_wait3A_449 : memref<16x128xf32, #tpu.memory_space<vmem_shared>>)
    %dma_wait3A_450 = arith.constant 0 : i32
    %dma_wait3A_451 = tpu.memref_slice %arg5[%multiple_of3A, %dma_wait3A_450] : memref<10000x128xf32, #tpu.memory_space<vmem_shared>> -> memref<16x128xf32, #tpu.memory_space<vmem_shared>>
    %dma_wait3A_452 = arith.constant 0 : i32
    %dma_wait3A_453 = tpu.memref_slice %arg5[%multiple_of3A, %dma_wait3A_452] : memref<10000x128xf32, #tpu.memory_space<vmem_shared>> -> memref<16x128xf32, #tpu.memory_space<vmem_shared>>
    tpu.wait_dma2 semaphore(%arg16 : memref<!tpu.dma_semaphore, #tpu.memory_space<semaphore_mem>>) src(%arg7 : memref<16x128xf32, #tpu.memory_space<vmem>>) dst(%dma_wait3A_453 : memref<16x128xf32, #tpu.memory_space<vmem_shared>>)
    %dma_wait3A_454 = arith.constant 0 : i32
    %dma_wait3A_455 = tpu.memref_slice %arg5[%multiple_of3A, %dma_wait3A_454] : memref<10000x128xf32, #tpu.memory_space<vmem_shared>> -> memref<16x128xf32, #tpu.memory_space<vmem_shared>>
    %dma_wait3A_456 = arith.constant 0 : i32
    %dma_wait3A_457 = tpu.memref_slice %arg5[%multiple_of3A, %dma_wait3A_456] : memref<10000x128xf32, #tpu.memory_space<vmem_shared>> -> memref<16x128xf32, #tpu.memory_space<vmem_shared>>
    tpu.wait_dma2 semaphore(%arg16 : memref<!tpu.dma_semaphore, #tpu.memory_space<semaphore_mem>>) src(%arg7 : memref<16x128xf32, #tpu.memory_space<vmem>>) dst(%dma_wait3A_457 : memref<16x128xf32, #tpu.memory_space<vmem_shared>>)
    %dma_wait3A_458 = arith.constant 0 : i32
    %dma_wait3A_459 = tpu.memref_slice %arg5[%multiple_of3A, %dma_wait3A_458] : memref<10000x128xf32, #tpu.memory_space<vmem_shared>> -> memref<16x128xf32, #tpu.memory_space<vmem_shared>>
    %dma_wait3A_460 = arith.constant 0 : i32
    %dma_wait3A_461 = tpu.memref_slice %arg5[%multiple_of3A, %dma_wait3A_460] : memref<10000x128xf32, #tpu.memory_space<vmem_shared>> -> memref<16x128xf32, #tpu.memory_space<vmem_shared>>
    tpu.wait_dma2 semaphore(%arg16 : memref<!tpu.dma_semaphore, #tpu.memory_space<semaphore_mem>>) src(%arg7 : memref<16x128xf32, #tpu.memory_space<vmem>>) dst(%dma_wait3A_461 : memref<16x128xf32, #tpu.memory_space<vmem_shared>>)
    %dma_wait3A_462 = arith.constant 0 : i32
    %dma_wait3A_463 = tpu.memref_slice %arg5[%multiple_of3A, %dma_wait3A_462] : memref<10000x128xf32, #tpu.memory_space<vmem_shared>> -> memref<16x128xf32, #tpu.memory_space<vmem_shared>>
    %dma_wait3A_464 = arith.constant 0 : i32
    %dma_wait3A_465 = tpu.memref_slice %arg5[%multiple_of3A, %dma_wait3A_464] : memref<10000x128xf32, #tpu.memory_space<vmem_shared>> -> memref<16x128xf32, #tpu.memory_space<vmem_shared>>
    tpu.wait_dma2 semaphore(%arg16 : memref<!tpu.dma_semaphore, #tpu.memory_space<semaphore_mem>>) src(%arg7 : memref<16x128xf32, #tpu.memory_space<vmem>>) dst(%dma_wait3A_465 : memref<16x128xf32, #tpu.memory_space<vmem_shared>>)
    %dma_wait3A_466 = arith.constant 0 : i32
    %dma_wait3A_467 = tpu.memref_slice %arg5[%multiple_of3A, %dma_wait3A_466] : memref<10000x128xf32, #tpu.memory_space<vmem_shared>> -> memref<16x128xf32, #tpu.memory_space<vmem_shared>>
    %dma_wait3A_468 = arith.constant 0 : i32
    %dma_wait3A_469 = tpu.memref_slice %arg5[%multiple_of3A, %dma_wait3A_468] : memref<10000x128xf32, #tpu.memory_space<vmem_shared>> -> memref<16x128xf32, #tpu.memory_space<vmem_shared>>
    tpu.wait_dma2 semaphore(%arg16 : memref<!tpu.dma_semaphore, #tpu.memory_space<semaphore_mem>>) src(%arg7 : memref<16x128xf32, #tpu.memory_space<vmem>>) dst(%dma_wait3A_469 : memref<16x128xf32, #tpu.memory_space<vmem_shared>>)
    %dma_wait3A_470 = arith.constant 0 : i32
    %dma_wait3A_471 = tpu.memref_slice %arg5[%multiple_of3A, %dma_wait3A_470] : memref<10000x128xf32, #tpu.memory_space<vmem_shared>> -> memref<16x128xf32, #tpu.memory_space<vmem_shared>>
    %dma_wait3A_472 = arith.constant 0 : i32
    %dma_wait3A_473 = tpu.memref_slice %arg5[%multiple_of3A, %dma_wait3A_472] : memref<10000x128xf32, #tpu.memory_space<vmem_shared>> -> memref<16x128xf32, #tpu.memory_space<vmem_shared>>
    tpu.wait_dma2 semaphore(%arg16 : memref<!tpu.dma_semaphore, #tpu.memory_space<semaphore_mem>>) src(%arg7 : memref<16x128xf32, #tpu.memory_space<vmem>>) dst(%dma_wait3A_473 : memref<16x128xf32, #tpu.memory_space<vmem_shared>>)
    %dma_wait3A_474 = arith.constant 0 : i32
    %dma_wait3A_475 = tpu.memref_slice %arg5[%multiple_of3A, %dma_wait3A_474] : memref<10000x128xf32, #tpu.memory_space<vmem_shared>> -> memref<16x128xf32, #tpu.memory_space<vmem_shared>>
    %dma_wait3A_476 = arith.constant 0 : i32
    %dma_wait3A_477 = tpu.memref_slice %arg5[%multiple_of3A, %dma_wait3A_476] : memref<10000x128xf32, #tpu.memory_space<vmem_shared>> -> memref<16x128xf32, #tpu.memory_space<vmem_shared>>
    tpu.wait_dma2 semaphore(%arg16 : memref<!tpu.dma_semaphore, #tpu.memory_space<semaphore_mem>>) src(%arg7 : memref<16x128xf32, #tpu.memory_space<vmem>>) dst(%dma_wait3A_477 : memref<16x128xf32, #tpu.memory_space<vmem_shared>>)
    %dma_wait3A_478 = arith.constant 0 : i32
    %dma_wait3A_479 = tpu.memref_slice %arg5[%multiple_of3A, %dma_wait3A_478] : memref<10000x128xf32, #tpu.memory_space<vmem_shared>> -> memref<16x128xf32, #tpu.memory_space<vmem_shared>>
    %dma_wait3A_480 = arith.constant 0 : i32
    %dma_wait3A_481 = tpu.memref_slice %arg5[%multiple_of3A, %dma_wait3A_480] : memref<10000x128xf32, #tpu.memory_space<vmem_shared>> -> memref<16x128xf32, #tpu.memory_space<vmem_shared>>
    tpu.wait_dma2 semaphore(%arg16 : memref<!tpu.dma_semaphore, #tpu.memory_space<semaphore_mem>>) src(%arg7 : memref<16x128xf32, #tpu.memory_space<vmem>>) dst(%dma_wait3A_481 : memref<16x128xf32, #tpu.memory_space<vmem_shared>>)
    %dma_wait3A_482 = arith.constant 0 : i32
    %dma_wait3A_483 = tpu.memref_slice %arg5[%multiple_of3A, %dma_wait3A_482] : memref<10000x128xf32, #tpu.memory_space<vmem_shared>> -> memref<16x128xf32, #tpu.memory_space<vmem_shared>>
    %dma_wait3A_484 = arith.constant 0 : i32
    %dma_wait3A_485 = tpu.memref_slice %arg5[%multiple_of3A, %dma_wait3A_484] : memref<10000x128xf32, #tpu.memory_space<vmem_shared>> -> memref<16x128xf32, #tpu.memory_space<vmem_shared>>
    tpu.wait_dma2 semaphore(%arg16 : memref<!tpu.dma_semaphore, #tpu.memory_space<semaphore_mem>>) src(%arg7 : memref<16x128xf32, #tpu.memory_space<vmem>>) dst(%dma_wait3A_485 : memref<16x128xf32, #tpu.memory_space<vmem_shared>>)
    %dma_wait3A_486 = arith.constant 0 : i32
    %dma_wait3A_487 = tpu.memref_slice %arg5[%multiple_of3A, %dma_wait3A_486] : memref<10000x128xf32, #tpu.memory_space<vmem_shared>> -> memref<16x128xf32, #tpu.memory_space<vmem_shared>>
    %dma_wait3A_488 = arith.constant 0 : i32
    %dma_wait3A_489 = tpu.memref_slice %arg5[%multiple_of3A, %dma_wait3A_488] : memref<10000x128xf32, #tpu.memory_space<vmem_shared>> -> memref<16x128xf32, #tpu.memory_space<vmem_shared>>
    tpu.wait_dma2 semaphore(%arg16 : memref<!tpu.dma_semaphore, #tpu.memory_space<semaphore_mem>>) src(%arg7 : memref<16x128xf32, #tpu.memory_space<vmem>>) dst(%dma_wait3A_489 : memref<16x128xf32, #tpu.memory_space<vmem_shared>>)
    %dma_wait3A_490 = arith.constant 0 : i32
    %dma_wait3A_491 = tpu.memref_slice %arg5[%multiple_of3A, %dma_wait3A_490] : memref<10000x128xf32, #tpu.memory_space<vmem_shared>> -> memref<16x128xf32, #tpu.memory_space<vmem_shared>>
    %dma_wait3A_492 = arith.constant 0 : i32
    %dma_wait3A_493 = tpu.memref_slice %arg5[%multiple_of3A, %dma_wait3A_492] : memref<10000x128xf32, #tpu.memory_space<vmem_shared>> -> memref<16x128xf32, #tpu.memory_space<vmem_shared>>
    tpu.wait_dma2 semaphore(%arg16 : memref<!tpu.dma_semaphore, #tpu.memory_space<semaphore_mem>>) src(%arg7 : memref<16x128xf32, #tpu.memory_space<vmem>>) dst(%dma_wait3A_493 : memref<16x128xf32, #tpu.memory_space<vmem_shared>>)
    %dma_wait3A_494 = arith.constant 0 : i32
    %dma_wait3A_495 = tpu.memref_slice %arg5[%multiple_of3A, %dma_wait3A_494] : memref<10000x128xf32, #tpu.memory_space<vmem_shared>> -> memref<16x128xf32, #tpu.memory_space<vmem_shared>>
    %dma_wait3A_496 = arith.constant 0 : i32
    %dma_wait3A_497 = tpu.memref_slice %arg5[%multiple_of3A, %dma_wait3A_496] : memref<10000x128xf32, #tpu.memory_space<vmem_shared>> -> memref<16x128xf32, #tpu.memory_space<vmem_shared>>
    tpu.wait_dma2 semaphore(%arg16 : memref<!tpu.dma_semaphore, #tpu.memory_space<semaphore_mem>>) src(%arg7 : memref<16x128xf32, #tpu.memory_space<vmem>>) dst(%dma_wait3A_497 : memref<16x128xf32, #tpu.memory_space<vmem_shared>>)
    %dma_wait3A_498 = arith.constant 0 : i32
    %dma_wait3A_499 = tpu.memref_slice %arg5[%multiple_of3A, %dma_wait3A_498] : memref<10000x128xf32, #tpu.memory_space<vmem_shared>> -> memref<16x128xf32, #tpu.memory_space<vmem_shared>>
    %dma_wait3A_500 = arith.constant 0 : i32
    %dma_wait3A_501 = tpu.memref_slice %arg5[%multiple_of3A, %dma_wait3A_500] : memref<10000x128xf32, #tpu.memory_space<vmem_shared>> -> memref<16x128xf32, #tpu.memory_space<vmem_shared>>
    tpu.wait_dma2 semaphore(%arg16 : memref<!tpu.dma_semaphore, #tpu.memory_space<semaphore_mem>>) src(%arg7 : memref<16x128xf32, #tpu.memory_space<vmem>>) dst(%dma_wait3A_501 : memref<16x128xf32, #tpu.memory_space<vmem_shared>>)
    %dma_wait3A_502 = arith.constant 0 : i32
    %dma_wait3A_503 = tpu.memref_slice %arg5[%multiple_of3A, %dma_wait3A_502] : memref<10000x128xf32, #tpu.memory_space<vmem_shared>> -> memref<16x128xf32, #tpu.memory_space<vmem_shared>>
    %dma_wait3A_504 = arith.constant 0 : i32
    %dma_wait3A_505 = tpu.memref_slice %arg5[%multiple_of3A, %dma_wait3A_504] : memref<10000x128xf32, #tpu.memory_space<vmem_shared>> -> memref<16x128xf32, #tpu.memory_space<vmem_shared>>
    tpu.wait_dma2 semaphore(%arg16 : memref<!tpu.dma_semaphore, #tpu.memory_space<semaphore_mem>>) src(%arg7 : memref<16x128xf32, #tpu.memory_space<vmem>>) dst(%dma_wait3A_505 : memref<16x128xf32, #tpu.memory_space<vmem_shared>>)
    %barrier3A = arith.constant 0 : index
    tpu.barrier barrier_id(%barrier3A)
    %dma_wait3A_506 = arith.constant 0 : i32
    %dma_wait3A_507 = arith.constant 0 : i32
    %dma_wait3A_508 = tpu.memref_slice %arg2[%dma_wait3A_506, %dma_wait3A_507] : memref<320000x128xf32, #tpu.memory_space<hbm>> -> memref<160x128xf32, #tpu.memory_space<hbm>>
    %dma_wait3A_509 = arith.constant 0 : i32
    %dma_wait3A_510 = arith.constant 0 : i32
    %dma_wait3A_511 = tpu.memref_slice %arg2[%dma_wait3A_509, %dma_wait3A_510] : memref<320000x128xf32, #tpu.memory_space<hbm>> -> memref<160x128xf32, #tpu.memory_space<hbm>>
    tpu.wait_dma2 semaphore(%arg10 : memref<!tpu.dma_semaphore, #tpu.memory_space<semaphore_mem>>) src(%dma_wait3A_511 : memref<160x128xf32, #tpu.memory_space<hbm>>) dst(%arg8 : memref<160x128xf32, #tpu.memory_space<vmem>>)
    %dma_wait3A_512 = arith.constant 0 : i32
    %dma_wait3A_513 = arith.constant 0 : i32
    %dma_wait3A_514 = tpu.memref_slice %arg6[%dma_wait3A_512, %dma_wait3A_513] : memref<4x80xi32, #tpu.memory_space<vmem>> -> memref<1x80xi32, #tpu.memory_space<vmem>>
    %dma_wait3A_515 = tpu.memref_squeeze %dma_wait3A_514 : memref<1x80xi32, #tpu.memory_space<vmem>> -> memref<80xi32, #tpu.memory_space<vmem>>
    %dma_wait3A_516 = arith.constant 0 : i32
    %dma_wait3A_517 = tpu.memref_slice %arg3[%dma_wait3A_516] : memref<320000xi32, #tpu.memory_space<hbm>> -> memref<80xi32, #tpu.memory_space<hbm>>
    %dma_wait3A_518 = arith.constant 0 : i32
    %dma_wait3A_519 = tpu.memref_slice %arg6[%dma_wait3A_512, %dma_wait3A_518] : memref<4x80xi32, #tpu.memory_space<vmem>> -> memref<1x80xi32, #tpu.memory_space<vmem>>
    %dma_wait3A_520 = tpu.memref_squeeze %dma_wait3A_519 : memref<1x80xi32, #tpu.memory_space<vmem>> -> memref<80xi32, #tpu.memory_space<vmem>>
    %dma_wait3A_521 = arith.constant 0 : i32
    %dma_wait3A_522 = tpu.memref_slice %arg3[%dma_wait3A_521] : memref<320000xi32, #tpu.memory_space<hbm>> -> memref<80xi32, #tpu.memory_space<hbm>>
    tpu.wait_dma2 semaphore(%arg12 : memref<!tpu.dma_semaphore, #tpu.memory_space<semaphore_mem>>) src(%dma_wait3A_522 : memref<80xi32, #tpu.memory_space<hbm>>) dst(%dma_wait3A_520 : memref<80xi32, #tpu.memory_space<vmem>>)
    %dma_wait3A_523 = arith.constant 0 : i32
    %dma_wait3A_524 = arith.constant 0 : i32
    %dma_wait3A_525 = tpu.memref_slice %arg6[%dma_wait3A_523, %dma_wait3A_524] : memref<4x80xi32, #tpu.memory_space<vmem>> -> memref<1x80xi32, #tpu.memory_space<vmem>>
    %dma_wait3A_526 = tpu.memref_squeeze %dma_wait3A_525 : memref<1x80xi32, #tpu.memory_space<vmem>> -> memref<80xi32, #tpu.memory_space<vmem>>
    %dma_wait3A_527 = arith.constant 0 : i32
    %dma_wait3A_528 = tpu.memref_slice %arg3[%dma_wait3A_527] : memref<320000xi32, #tpu.memory_space<hbm>> -> memref<80xi32, #tpu.memory_space<hbm>>
    %dma_wait3A_529 = arith.constant 0 : i32
    %dma_wait3A_530 = tpu.memref_slice %arg6[%dma_wait3A_523, %dma_wait3A_529] : memref<4x80xi32, #tpu.memory_space<vmem>> -> memref<1x80xi32, #tpu.memory_space<vmem>>
    %dma_wait3A_531 = tpu.memref_squeeze %dma_wait3A_530 : memref<1x80xi32, #tpu.memory_space<vmem>> -> memref<80xi32, #tpu.memory_space<vmem>>
    %dma_wait3A_532 = arith.constant 0 : i32
    %dma_wait3A_533 = tpu.memref_slice %arg3[%dma_wait3A_532] : memref<320000xi32, #tpu.memory_space<hbm>> -> memref<80xi32, #tpu.memory_space<hbm>>
    tpu.wait_dma2 semaphore(%arg12 : memref<!tpu.dma_semaphore, #tpu.memory_space<semaphore_mem>>) src(%dma_wait3A_533 : memref<80xi32, #tpu.memory_space<hbm>>) dst(%dma_wait3A_531 : memref<80xi32, #tpu.memory_space<vmem>>)
    %dma_start3A_534 = arith.constant 0 : i32
    %dma_start3A_535 = arith.constant 0 : i32
    %dma_start3A_536 = arith.constant 0 : i32
    %dma_start3A_537 = tpu.memref_slice %arg8[%dma_start3A_535, %dma_start3A_536] : memref<160x128xf32, #tpu.memory_space<vmem>> -> memref<80x128xf32, #tpu.memory_space<vmem>>
    %dma_start3A_538 = arith.constant 0 : i32
    %dma_start3A_539 = tpu.memref_slice %arg6[%dma_start3A_534, %dma_start3A_538] : memref<4x80xi32, #tpu.memory_space<vmem>> -> memref<1x80xi32, #tpu.memory_space<vmem>>
    %dma_start3A_540 = tpu.memref_squeeze %dma_start3A_539 : memref<1x80xi32, #tpu.memory_space<vmem>> -> memref<80xi32, #tpu.memory_space<vmem>>
    %dma_start3A_541 = arith.constant 0 : i32
    %dma_start3A_542 = arith.constant 0 : i32
    %dma_start3A_543 = tpu.memref_slice %arg5[%dma_start3A_541, %dma_start3A_542] : memref<10000x128xf32, #tpu.memory_space<vmem_shared>> -> memref<10000x128xf32, #tpu.memory_space<vmem_shared>>
    tpu.enqueue_indirect_dma source(%dma_start3A_537 : memref<80x128xf32, #tpu.memory_space<vmem>>) target(%dma_start3A_543 : memref<10000x128xf32, #tpu.memory_space<vmem_shared>>) offsets(%dma_start3A_540 : memref<80xi32, #tpu.memory_space<vmem>>) semaphore(%arg14 : memref<!tpu.dma_semaphore, #tpu.memory_space<semaphore_mem>>) {add = true}
    %dma_start3A_544 = arith.constant 1 : i32
    %dma_start3A_545 = arith.constant 80 : i32
    %dma_start3A_546 = arith.constant 0 : i32
    %dma_start3A_547 = tpu.memref_slice %arg8[%dma_start3A_545, %dma_start3A_546] : memref<160x128xf32, #tpu.memory_space<vmem>> -> memref<80x128xf32, #tpu.memory_space<vmem>>
    %dma_start3A_548 = arith.constant 0 : i32
    %dma_start3A_549 = tpu.memref_slice %arg6[%dma_start3A_544, %dma_start3A_548] : memref<4x80xi32, #tpu.memory_space<vmem>> -> memref<1x80xi32, #tpu.memory_space<vmem>>
    %dma_start3A_550 = tpu.memref_squeeze %dma_start3A_549 : memref<1x80xi32, #tpu.memory_space<vmem>> -> memref<80xi32, #tpu.memory_space<vmem>>
    %dma_start3A_551 = arith.constant 0 : i32
    %dma_start3A_552 = arith.constant 0 : i32
    %dma_start3A_553 = tpu.memref_slice %arg5[%dma_start3A_551, %dma_start3A_552] : memref<10000x128xf32, #tpu.memory_space<vmem_shared>> -> memref<10000x128xf32, #tpu.memory_space<vmem_shared>>
    tpu.enqueue_indirect_dma source(%dma_start3A_547 : memref<80x128xf32, #tpu.memory_space<vmem>>) target(%dma_start3A_553 : memref<10000x128xf32, #tpu.memory_space<vmem_shared>>) offsets(%dma_start3A_550 : memref<80xi32, #tpu.memory_space<vmem>>) semaphore(%arg14 : memref<!tpu.dma_semaphore, #tpu.memory_space<semaphore_mem>>) {add = true}
    %scan3A_554 = arith.constant 0 : i32
    %scan3A_555 = arith.constant 0 : i32
    %scan3A_556 = arith.constant 30 : i32
    %scan3A_557 = arith.addi %scan3A_555, %scan3A_556 : i32
    %scan3A_558 = arith.constant 1 : i32
    %scan3A_559 = scf.for %scan3A_715 = %scan3A_555 to %scan3A_557 step %scan3A_558 iter_args(%scan3A_716 = %scan3A_554) -> (i32)  : i32 {
      %dma_wait3A_717 = arith.constant 0 : i32
      %dma_wait3A_718 = arith.constant 0 : i32
      %dma_wait3A_719 = tpu.memref_slice %arg2[%dma_wait3A_717, %dma_wait3A_718] : memref<320000x128xf32, #tpu.memory_space<hbm>> -> memref<160x128xf32, #tpu.memory_space<hbm>>
      %dma_wait3A_720 = arith.constant 0 : i32
      %dma_wait3A_721 = arith.constant 0 : i32
      %dma_wait3A_722 = tpu.memref_slice %arg2[%dma_wait3A_720, %dma_wait3A_721] : memref<320000x128xf32, #tpu.memory_space<hbm>> -> memref<160x128xf32, #tpu.memory_space<hbm>>
      tpu.wait_dma2 semaphore(%arg11 : memref<!tpu.dma_semaphore, #tpu.memory_space<semaphore_mem>>) src(%dma_wait3A_722 : memref<160x128xf32, #tpu.memory_space<hbm>>) dst(%arg9 : memref<160x128xf32, #tpu.memory_space<vmem>>)
      %dma_wait3A_723 = arith.constant 2 : i32
      %dma_wait3A_724 = arith.constant 0 : i32
      %dma_wait3A_725 = tpu.memref_slice %arg6[%dma_wait3A_723, %dma_wait3A_724] : memref<4x80xi32, #tpu.memory_space<vmem>> -> memref<1x80xi32, #tpu.memory_space<vmem>>
      %dma_wait3A_726 = tpu.memref_squeeze %dma_wait3A_725 : memref<1x80xi32, #tpu.memory_space<vmem>> -> memref<80xi32, #tpu.memory_space<vmem>>
      %dma_wait3A_727 = arith.constant 0 : i32
      %dma_wait3A_728 = tpu.memref_slice %arg3[%dma_wait3A_727] : memref<320000xi32, #tpu.memory_space<hbm>> -> memref<80xi32, #tpu.memory_space<hbm>>
      %dma_wait3A_729 = arith.constant 0 : i32
      %dma_wait3A_730 = tpu.memref_slice %arg6[%dma_wait3A_723, %dma_wait3A_729] : memref<4x80xi32, #tpu.memory_space<vmem>> -> memref<1x80xi32, #tpu.memory_space<vmem>>
      %dma_wait3A_731 = tpu.memref_squeeze %dma_wait3A_730 : memref<1x80xi32, #tpu.memory_space<vmem>> -> memref<80xi32, #tpu.memory_space<vmem>>
      %dma_wait3A_732 = arith.constant 0 : i32
      %dma_wait3A_733 = tpu.memref_slice %arg3[%dma_wait3A_732] : memref<320000xi32, #tpu.memory_space<hbm>> -> memref<80xi32, #tpu.memory_space<hbm>>
      tpu.wait_dma2 semaphore(%arg13 : memref<!tpu.dma_semaphore, #tpu.memory_space<semaphore_mem>>) src(%dma_wait3A_733 : memref<80xi32, #tpu.memory_space<hbm>>) dst(%dma_wait3A_731 : memref<80xi32, #tpu.memory_space<vmem>>)
      %dma_wait3A_734 = arith.constant 2 : i32
      %dma_wait3A_735 = arith.constant 0 : i32
      %dma_wait3A_736 = tpu.memref_slice %arg6[%dma_wait3A_734, %dma_wait3A_735] : memref<4x80xi32, #tpu.memory_space<vmem>> -> memref<1x80xi32, #tpu.memory_space<vmem>>
      %dma_wait3A_737 = tpu.memref_squeeze %dma_wait3A_736 : memref<1x80xi32, #tpu.memory_space<vmem>> -> memref<80xi32, #tpu.memory_space<vmem>>
      %dma_wait3A_738 = arith.constant 0 : i32
      %dma_wait3A_739 = tpu.memref_slice %arg3[%dma_wait3A_738] : memref<320000xi32, #tpu.memory_space<hbm>> -> memref<80xi32, #tpu.memory_space<hbm>>
      %dma_wait3A_740 = arith.constant 0 : i32
      %dma_wait3A_741 = tpu.memref_slice %arg6[%dma_wait3A_734, %dma_wait3A_740] : memref<4x80xi32, #tpu.memory_space<vmem>> -> memref<1x80xi32, #tpu.memory_space<vmem>>
      %dma_wait3A_742 = tpu.memref_squeeze %dma_wait3A_741 : memref<1x80xi32, #tpu.memory_space<vmem>> -> memref<80xi32, #tpu.memory_space<vmem>>
      %dma_wait3A_743 = arith.constant 0 : i32
      %dma_wait3A_744 = tpu.memref_slice %arg3[%dma_wait3A_743] : memref<320000xi32, #tpu.memory_space<hbm>> -> memref<80xi32, #tpu.memory_space<hbm>>
      tpu.wait_dma2 semaphore(%arg13 : memref<!tpu.dma_semaphore, #tpu.memory_space<semaphore_mem>>) src(%dma_wait3A_744 : memref<80xi32, #tpu.memory_space<hbm>>) dst(%dma_wait3A_742 : memref<80xi32, #tpu.memory_space<vmem>>)
      %dma_start3A_745 = arith.constant 2 : i32
      %dma_start3A_746 = arith.constant 0 : i32
      %dma_start3A_747 = arith.constant 0 : i32
      %dma_start3A_748 = tpu.memref_slice %arg9[%dma_start3A_746, %dma_start3A_747] : memref<160x128xf32, #tpu.memory_space<vmem>> -> memref<80x128xf32, #tpu.memory_space<vmem>>
      %dma_start3A_749 = arith.constant 0 : i32
      %dma_start3A_750 = tpu.memref_slice %arg6[%dma_start3A_745, %dma_start3A_749] : memref<4x80xi32, #tpu.memory_space<vmem>> -> memref<1x80xi32, #tpu.memory_space<vmem>>
      %dma_start3A_751 = tpu.memref_squeeze %dma_start3A_750 : memref<1x80xi32, #tpu.memory_space<vmem>> -> memref<80xi32, #tpu.memory_space<vmem>>
      %dma_start3A_752 = arith.constant 0 : i32
      %dma_start3A_753 = arith.constant 0 : i32
      %dma_start3A_754 = tpu.memref_slice %arg5[%dma_start3A_752, %dma_start3A_753] : memref<10000x128xf32, #tpu.memory_space<vmem_shared>> -> memref<10000x128xf32, #tpu.memory_space<vmem_shared>>
      tpu.enqueue_indirect_dma source(%dma_start3A_748 : memref<80x128xf32, #tpu.memory_space<vmem>>) target(%dma_start3A_754 : memref<10000x128xf32, #tpu.memory_space<vmem_shared>>) offsets(%dma_start3A_751 : memref<80xi32, #tpu.memory_space<vmem>>) semaphore(%arg15 : memref<!tpu.dma_semaphore, #tpu.memory_space<semaphore_mem>>) {add = true}
      %dma_start3A_755 = arith.constant 3 : i32
      %dma_start3A_756 = arith.constant 80 : i32
      %dma_start3A_757 = arith.constant 0 : i32
      %dma_start3A_758 = tpu.memref_slice %arg9[%dma_start3A_756, %dma_start3A_757] : memref<160x128xf32, #tpu.memory_space<vmem>> -> memref<80x128xf32, #tpu.memory_space<vmem>>
      %dma_start3A_759 = arith.constant 0 : i32
      %dma_start3A_760 = tpu.memref_slice %arg6[%dma_start3A_755, %dma_start3A_759] : memref<4x80xi32, #tpu.memory_space<vmem>> -> memref<1x80xi32, #tpu.memory_space<vmem>>
      %dma_start3A_761 = tpu.memref_squeeze %dma_start3A_760 : memref<1x80xi32, #tpu.memory_space<vmem>> -> memref<80xi32, #tpu.memory_space<vmem>>
      %dma_start3A_762 = arith.constant 0 : i32
      %dma_start3A_763 = arith.constant 0 : i32
      %dma_start3A_764 = tpu.memref_slice %arg5[%dma_start3A_762, %dma_start3A_763] : memref<10000x128xf32, #tpu.memory_space<vmem_shared>> -> memref<10000x128xf32, #tpu.memory_space<vmem_shared>>
      tpu.enqueue_indirect_dma source(%dma_start3A_758 : memref<80x128xf32, #tpu.memory_space<vmem>>) target(%dma_start3A_764 : memref<10000x128xf32, #tpu.memory_space<vmem_shared>>) offsets(%dma_start3A_761 : memref<80xi32, #tpu.memory_space<vmem>>) semaphore(%arg15 : memref<!tpu.dma_semaphore, #tpu.memory_space<semaphore_mem>>) {add = true}
      %dma_wait3A_765 = arith.constant 0 : i32
      %dma_wait3A_766 = arith.constant 0 : i32
      %dma_wait3A_767 = arith.constant 0 : i32
      %dma_wait3A_768 = tpu.memref_slice %arg8[%dma_wait3A_766, %dma_wait3A_767] : memref<160x128xf32, #tpu.memory_space<vmem>> -> memref<80x128xf32, #tpu.memory_space<vmem>>
      %dma_wait3A_769 = arith.constant 0 : i32
      %dma_wait3A_770 = tpu.memref_slice %arg6[%dma_wait3A_765, %dma_wait3A_769] : memref<4x80xi32, #tpu.memory_space<vmem>> -> memref<1x80xi32, #tpu.memory_space<vmem>>
      %dma_wait3A_771 = tpu.memref_squeeze %dma_wait3A_770 : memref<1x80xi32, #tpu.memory_space<vmem>> -> memref<80xi32, #tpu.memory_space<vmem>>
      %dma_wait3A_772 = arith.constant 0 : i32
      %dma_wait3A_773 = arith.constant 0 : i32
      %dma_wait3A_774 = tpu.memref_slice %arg5[%dma_wait3A_772, %dma_wait3A_773] : memref<10000x128xf32, #tpu.memory_space<vmem_shared>> -> memref<10000x128xf32, #tpu.memory_space<vmem_shared>>
      tpu.wait_indirect_dma semaphore(%arg14 : memref<!tpu.dma_semaphore, #tpu.memory_space<semaphore_mem>>) src(%dma_wait3A_768 : memref<80x128xf32, #tpu.memory_space<vmem>>) dst(%dma_wait3A_774 : memref<10000x128xf32, #tpu.memory_space<vmem_shared>>)
      %dma_wait3A_775 = arith.constant 0 : i32
      %dma_wait3A_776 = arith.constant 0 : i32
      %dma_wait3A_777 = arith.constant 0 : i32
      %dma_wait3A_778 = tpu.memref_slice %arg8[%dma_wait3A_776, %dma_wait3A_777] : memref<160x128xf32, #tpu.memory_space<vmem>> -> memref<80x128xf32, #tpu.memory_space<vmem>>
      %dma_wait3A_779 = arith.constant 0 : i32
      %dma_wait3A_780 = tpu.memref_slice %arg6[%dma_wait3A_775, %dma_wait3A_779] : memref<4x80xi32, #tpu.memory_space<vmem>> -> memref<1x80xi32, #tpu.memory_space<vmem>>
      %dma_wait3A_781 = tpu.memref_squeeze %dma_wait3A_780 : memref<1x80xi32, #tpu.memory_space<vmem>> -> memref<80xi32, #tpu.memory_space<vmem>>
      %dma_wait3A_782 = arith.constant 0 : i32
      %dma_wait3A_783 = arith.constant 0 : i32
      %dma_wait3A_784 = tpu.memref_slice %arg5[%dma_wait3A_782, %dma_wait3A_783] : memref<10000x128xf32, #tpu.memory_space<vmem_shared>> -> memref<10000x128xf32, #tpu.memory_space<vmem_shared>>
      tpu.wait_indirect_dma semaphore(%arg14 : memref<!tpu.dma_semaphore, #tpu.memory_space<semaphore_mem>>) src(%dma_wait3A_778 : memref<80x128xf32, #tpu.memory_space<vmem>>) dst(%dma_wait3A_784 : memref<10000x128xf32, #tpu.memory_space<vmem_shared>>)
      %mul3A_785 = arith.constant 2 : i32
      %mul3A_786 = arith.muli %mul3A_785, %scan3A_715 : i32
      %add3A_787 = arith.constant 2 : i32
      %add3A_788 = arith.addi %mul3A_786, %add3A_787 : i32
      %mul3A_789 = arith.constant 160 : i32
      %mul3A_790 = arith.muli %add3A_788, %mul3A_789 : i32
      %add3A_791 = arith.addi %mul3A_2, %mul3A_790 : i32
      %multiple_of3A_792 = tpu.assume_multiple %add3A_791, 8 : i32
      %dma_start3A_793 = arith.constant 0 : i32
      %dma_start3A_794 = arith.constant 0 : i32
      %dma_start3A_795 = tpu.memref_slice %arg6[%dma_start3A_793, %dma_start3A_794] : memref<4x80xi32, #tpu.memory_space<vmem>> -> memref<1x80xi32, #tpu.memory_space<vmem>>
      %dma_start3A_796 = tpu.memref_squeeze %dma_start3A_795 : memref<1x80xi32, #tpu.memory_space<vmem>> -> memref<80xi32, #tpu.memory_space<vmem>>
      %dma_start3A_797 = tpu.memref_slice %arg3[%multiple_of3A_792] : memref<320000xi32, #tpu.memory_space<hbm>> -> memref<80xi32, #tpu.memory_space<hbm>>
      %dma_start3A_798 = arith.constant 0 : i32
      %dma_start3A_799 = tpu.memref_slice %arg6[%dma_start3A_793, %dma_start3A_798] : memref<4x80xi32, #tpu.memory_space<vmem>> -> memref<1x80xi32, #tpu.memory_space<vmem>>
      %dma_start3A_800 = tpu.memref_squeeze %dma_start3A_799 : memref<1x80xi32, #tpu.memory_space<vmem>> -> memref<80xi32, #tpu.memory_space<vmem>>
      %dma_start3A_801 = tpu.memref_slice %arg3[%multiple_of3A_792] : memref<320000xi32, #tpu.memory_space<hbm>> -> memref<80xi32, #tpu.memory_space<hbm>>
      tpu.enqueue_dma source(%dma_start3A_801 : memref<80xi32, #tpu.memory_space<hbm>>) target(%dma_start3A_800 : memref<80xi32, #tpu.memory_space<vmem>>) target_semaphore(%arg12 : memref<!tpu.dma_semaphore, #tpu.memory_space<semaphore_mem>>)
      %add3A_802 = arith.constant 80 : i32
      %add3A_803 = arith.addi %multiple_of3A_792, %add3A_802 : i32
      %multiple_of3A_804 = tpu.assume_multiple %add3A_803, 8 : i32
      %dma_start3A_805 = arith.constant 1 : i32
      %dma_start3A_806 = arith.constant 0 : i32
      %dma_start3A_807 = tpu.memref_slice %arg6[%dma_start3A_805, %dma_start3A_806] : memref<4x80xi32, #tpu.memory_space<vmem>> -> memref<1x80xi32, #tpu.memory_space<vmem>>
      %dma_start3A_808 = tpu.memref_squeeze %dma_start3A_807 : memref<1x80xi32, #tpu.memory_space<vmem>> -> memref<80xi32, #tpu.memory_space<vmem>>
      %dma_start3A_809 = tpu.memref_slice %arg3[%multiple_of3A_804] : memref<320000xi32, #tpu.memory_space<hbm>> -> memref<80xi32, #tpu.memory_space<hbm>>
      %dma_start3A_810 = arith.constant 0 : i32
      %dma_start3A_811 = tpu.memref_slice %arg6[%dma_start3A_805, %dma_start3A_810] : memref<4x80xi32, #tpu.memory_space<vmem>> -> memref<1x80xi32, #tpu.memory_space<vmem>>
      %dma_start3A_812 = tpu.memref_squeeze %dma_start3A_811 : memref<1x80xi32, #tpu.memory_space<vmem>> -> memref<80xi32, #tpu.memory_space<vmem>>
      %dma_start3A_813 = tpu.memref_slice %arg3[%multiple_of3A_804] : memref<320000xi32, #tpu.memory_space<hbm>> -> memref<80xi32, #tpu.memory_space<hbm>>
      tpu.enqueue_dma source(%dma_start3A_813 : memref<80xi32, #tpu.memory_space<hbm>>) target(%dma_start3A_812 : memref<80xi32, #tpu.memory_space<vmem>>) target_semaphore(%arg12 : memref<!tpu.dma_semaphore, #tpu.memory_space<semaphore_mem>>)
      %dma_start3A_814 = arith.constant 0 : i32
      %dma_start3A_815 = tpu.memref_slice %arg2[%multiple_of3A_792, %dma_start3A_814] : memref<320000x128xf32, #tpu.memory_space<hbm>> -> memref<160x128xf32, #tpu.memory_space<hbm>>
      %dma_start3A_816 = arith.constant 0 : i32
      %dma_start3A_817 = tpu.memref_slice %arg2[%multiple_of3A_792, %dma_start3A_816] : memref<320000x128xf32, #tpu.memory_space<hbm>> -> memref<160x128xf32, #tpu.memory_space<hbm>>
      tpu.enqueue_dma source(%dma_start3A_817 : memref<160x128xf32, #tpu.memory_space<hbm>>) target(%arg8 : memref<160x128xf32, #tpu.memory_space<vmem>>) target_semaphore(%arg10 : memref<!tpu.dma_semaphore, #tpu.memory_space<semaphore_mem>>)
      %dma_wait3A_818 = arith.constant 0 : i32
      %dma_wait3A_819 = arith.constant 0 : i32
      %dma_wait3A_820 = tpu.memref_slice %arg2[%dma_wait3A_818, %dma_wait3A_819] : memref<320000x128xf32, #tpu.memory_space<hbm>> -> memref<160x128xf32, #tpu.memory_space<hbm>>
      %dma_wait3A_821 = arith.constant 0 : i32
      %dma_wait3A_822 = arith.constant 0 : i32
      %dma_wait3A_823 = tpu.memref_slice %arg2[%dma_wait3A_821, %dma_wait3A_822] : memref<320000x128xf32, #tpu.memory_space<hbm>> -> memref<160x128xf32, #tpu.memory_space<hbm>>
      tpu.wait_dma2 semaphore(%arg10 : memref<!tpu.dma_semaphore, #tpu.memory_space<semaphore_mem>>) src(%dma_wait3A_823 : memref<160x128xf32, #tpu.memory_space<hbm>>) dst(%arg8 : memref<160x128xf32, #tpu.memory_space<vmem>>)
      %dma_wait3A_824 = arith.constant 0 : i32
      %dma_wait3A_825 = arith.constant 0 : i32
      %dma_wait3A_826 = tpu.memref_slice %arg6[%dma_wait3A_824, %dma_wait3A_825] : memref<4x80xi32, #tpu.memory_space<vmem>> -> memref<1x80xi32, #tpu.memory_space<vmem>>
      %dma_wait3A_827 = tpu.memref_squeeze %dma_wait3A_826 : memref<1x80xi32, #tpu.memory_space<vmem>> -> memref<80xi32, #tpu.memory_space<vmem>>
      %dma_wait3A_828 = arith.constant 0 : i32
      %dma_wait3A_829 = tpu.memref_slice %arg3[%dma_wait3A_828] : memref<320000xi32, #tpu.memory_space<hbm>> -> memref<80xi32, #tpu.memory_space<hbm>>
      %dma_wait3A_830 = arith.constant 0 : i32
      %dma_wait3A_831 = tpu.memref_slice %arg6[%dma_wait3A_824, %dma_wait3A_830] : memref<4x80xi32, #tpu.memory_space<vmem>> -> memref<1x80xi32, #tpu.memory_space<vmem>>
      %dma_wait3A_832 = tpu.memref_squeeze %dma_wait3A_831 : memref<1x80xi32, #tpu.memory_space<vmem>> -> memref<80xi32, #tpu.memory_space<vmem>>
      %dma_wait3A_833 = arith.constant 0 : i32
      %dma_wait3A_834 = tpu.memref_slice %arg3[%dma_wait3A_833] : memref<320000xi32, #tpu.memory_space<hbm>> -> memref<80xi32, #tpu.memory_space<hbm>>
      tpu.wait_dma2 semaphore(%arg12 : memref<!tpu.dma_semaphore, #tpu.memory_space<semaphore_mem>>) src(%dma_wait3A_834 : memref<80xi32, #tpu.memory_space<hbm>>) dst(%dma_wait3A_832 : memref<80xi32, #tpu.memory_space<vmem>>)
      %dma_wait3A_835 = arith.constant 0 : i32
      %dma_wait3A_836 = arith.constant 0 : i32
      %dma_wait3A_837 = tpu.memref_slice %arg6[%dma_wait3A_835, %dma_wait3A_836] : memref<4x80xi32, #tpu.memory_space<vmem>> -> memref<1x80xi32, #tpu.memory_space<vmem>>
      %dma_wait3A_838 = tpu.memref_squeeze %dma_wait3A_837 : memref<1x80xi32, #tpu.memory_space<vmem>> -> memref<80xi32, #tpu.memory_space<vmem>>
      %dma_wait3A_839 = arith.constant 0 : i32
      %dma_wait3A_840 = tpu.memref_slice %arg3[%dma_wait3A_839] : memref<320000xi32, #tpu.memory_space<hbm>> -> memref<80xi32, #tpu.memory_space<hbm>>
      %dma_wait3A_841 = arith.constant 0 : i32
      %dma_wait3A_842 = tpu.memref_slice %arg6[%dma_wait3A_835, %dma_wait3A_841] : memref<4x80xi32, #tpu.memory_space<vmem>> -> memref<1x80xi32, #tpu.memory_space<vmem>>
      %dma_wait3A_843 = tpu.memref_squeeze %dma_wait3A_842 : memref<1x80xi32, #tpu.memory_space<vmem>> -> memref<80xi32, #tpu.memory_space<vmem>>
      %dma_wait3A_844 = arith.constant 0 : i32
      %dma_wait3A_845 = tpu.memref_slice %arg3[%dma_wait3A_844] : memref<320000xi32, #tpu.memory_space<hbm>> -> memref<80xi32, #tpu.memory_space<hbm>>
      tpu.wait_dma2 semaphore(%arg12 : memref<!tpu.dma_semaphore, #tpu.memory_space<semaphore_mem>>) src(%dma_wait3A_845 : memref<80xi32, #tpu.memory_space<hbm>>) dst(%dma_wait3A_843 : memref<80xi32, #tpu.memory_space<vmem>>)
      %dma_start3A_846 = arith.constant 0 : i32
      %dma_start3A_847 = arith.constant 0 : i32
      %dma_start3A_848 = arith.constant 0 : i32
      %dma_start3A_849 = tpu.memref_slice %arg8[%dma_start3A_847, %dma_start3A_848] : memref<160x128xf32, #tpu.memory_space<vmem>> -> memref<80x128xf32, #tpu.memory_space<vmem>>
      %dma_start3A_850 = arith.constant 0 : i32
      %dma_start3A_851 = tpu.memref_slice %arg6[%dma_start3A_846, %dma_start3A_850] : memref<4x80xi32, #tpu.memory_space<vmem>> -> memref<1x80xi32, #tpu.memory_space<vmem>>
      %dma_start3A_852 = tpu.memref_squeeze %dma_start3A_851 : memref<1x80xi32, #tpu.memory_space<vmem>> -> memref<80xi32, #tpu.memory_space<vmem>>
      %dma_start3A_853 = arith.constant 0 : i32
      %dma_start3A_854 = arith.constant 0 : i32
      %dma_start3A_855 = tpu.memref_slice %arg5[%dma_start3A_853, %dma_start3A_854] : memref<10000x128xf32, #tpu.memory_space<vmem_shared>> -> memref<10000x128xf32, #tpu.memory_space<vmem_shared>>
      tpu.enqueue_indirect_dma source(%dma_start3A_849 : memref<80x128xf32, #tpu.memory_space<vmem>>) target(%dma_start3A_855 : memref<10000x128xf32, #tpu.memory_space<vmem_shared>>) offsets(%dma_start3A_852 : memref<80xi32, #tpu.memory_space<vmem>>) semaphore(%arg14 : memref<!tpu.dma_semaphore, #tpu.memory_space<semaphore_mem>>) {add = true}
      %dma_start3A_856 = arith.constant 1 : i32
      %dma_start3A_857 = arith.constant 80 : i32
      %dma_start3A_858 = arith.constant 0 : i32
      %dma_start3A_859 = tpu.memref_slice %arg8[%dma_start3A_857, %dma_start3A_858] : memref<160x128xf32, #tpu.memory_space<vmem>> -> memref<80x128xf32, #tpu.memory_space<vmem>>
      %dma_start3A_860 = arith.constant 0 : i32
      %dma_start3A_861 = tpu.memref_slice %arg6[%dma_start3A_856, %dma_start3A_860] : memref<4x80xi32, #tpu.memory_space<vmem>> -> memref<1x80xi32, #tpu.memory_space<vmem>>
      %dma_start3A_862 = tpu.memref_squeeze %dma_start3A_861 : memref<1x80xi32, #tpu.memory_space<vmem>> -> memref<80xi32, #tpu.memory_space<vmem>>
      %dma_start3A_863 = arith.constant 0 : i32
      %dma_start3A_864 = arith.constant 0 : i32
      %dma_start3A_865 = tpu.memref_slice %arg5[%dma_start3A_863, %dma_start3A_864] : memref<10000x128xf32, #tpu.memory_space<vmem_shared>> -> memref<10000x128xf32, #tpu.memory_space<vmem_shared>>
      tpu.enqueue_indirect_dma source(%dma_start3A_859 : memref<80x128xf32, #tpu.memory_space<vmem>>) target(%dma_start3A_865 : memref<10000x128xf32, #tpu.memory_space<vmem_shared>>) offsets(%dma_start3A_862 : memref<80xi32, #tpu.memory_space<vmem>>) semaphore(%arg14 : memref<!tpu.dma_semaphore, #tpu.memory_space<semaphore_mem>>) {add = true}
      %dma_wait3A_866 = arith.constant 2 : i32
      %dma_wait3A_867 = arith.constant 0 : i32
      %dma_wait3A_868 = arith.constant 0 : i32
      %dma_wait3A_869 = tpu.memref_slice %arg9[%dma_wait3A_867, %dma_wait3A_868] : memref<160x128xf32, #tpu.memory_space<vmem>> -> memref<80x128xf32, #tpu.memory_space<vmem>>
      %dma_wait3A_870 = arith.constant 0 : i32
      %dma_wait3A_871 = tpu.memref_slice %arg6[%dma_wait3A_866, %dma_wait3A_870] : memref<4x80xi32, #tpu.memory_space<vmem>> -> memref<1x80xi32, #tpu.memory_space<vmem>>
      %dma_wait3A_872 = tpu.memref_squeeze %dma_wait3A_871 : memref<1x80xi32, #tpu.memory_space<vmem>> -> memref<80xi32, #tpu.memory_space<vmem>>
      %dma_wait3A_873 = arith.constant 0 : i32
      %dma_wait3A_874 = arith.constant 0 : i32
      %dma_wait3A_875 = tpu.memref_slice %arg5[%dma_wait3A_873, %dma_wait3A_874] : memref<10000x128xf32, #tpu.memory_space<vmem_shared>> -> memref<10000x128xf32, #tpu.memory_space<vmem_shared>>
      tpu.wait_indirect_dma semaphore(%arg15 : memref<!tpu.dma_semaphore, #tpu.memory_space<semaphore_mem>>) src(%dma_wait3A_869 : memref<80x128xf32, #tpu.memory_space<vmem>>) dst(%dma_wait3A_875 : memref<10000x128xf32, #tpu.memory_space<vmem_shared>>)
      %dma_wait3A_876 = arith.constant 2 : i32
      %dma_wait3A_877 = arith.constant 0 : i32
      %dma_wait3A_878 = arith.constant 0 : i32
      %dma_wait3A_879 = tpu.memref_slice %arg9[%dma_wait3A_877, %dma_wait3A_878] : memref<160x128xf32, #tpu.memory_space<vmem>> -> memref<80x128xf32, #tpu.memory_space<vmem>>
      %dma_wait3A_880 = arith.constant 0 : i32
      %dma_wait3A_881 = tpu.memref_slice %arg6[%dma_wait3A_876, %dma_wait3A_880] : memref<4x80xi32, #tpu.memory_space<vmem>> -> memref<1x80xi32, #tpu.memory_space<vmem>>
      %dma_wait3A_882 = tpu.memref_squeeze %dma_wait3A_881 : memref<1x80xi32, #tpu.memory_space<vmem>> -> memref<80xi32, #tpu.memory_space<vmem>>
      %dma_wait3A_883 = arith.constant 0 : i32
      %dma_wait3A_884 = arith.constant 0 : i32
      %dma_wait3A_885 = tpu.memref_slice %arg5[%dma_wait3A_883, %dma_wait3A_884] : memref<10000x128xf32, #tpu.memory_space<vmem_shared>> -> memref<10000x128xf32, #tpu.memory_space<vmem_shared>>
      tpu.wait_indirect_dma semaphore(%arg15 : memref<!tpu.dma_semaphore, #tpu.memory_space<semaphore_mem>>) src(%dma_wait3A_879 : memref<80x128xf32, #tpu.memory_space<vmem>>) dst(%dma_wait3A_885 : memref<10000x128xf32, #tpu.memory_space<vmem_shared>>)
      %mul3A_886 = arith.constant 2 : i32
      %mul3A_887 = arith.muli %mul3A_886, %scan3A_715 : i32
      %add3A_888 = arith.constant 3 : i32
      %add3A_889 = arith.addi %mul3A_887, %add3A_888 : i32
      %mul3A_890 = arith.constant 160 : i32
      %mul3A_891 = arith.muli %add3A_889, %mul3A_890 : i32
      %add3A_892 = arith.addi %mul3A_2, %mul3A_891 : i32
      %multiple_of3A_893 = tpu.assume_multiple %add3A_892, 8 : i32
      %dma_start3A_894 = arith.constant 2 : i32
      %dma_start3A_895 = arith.constant 0 : i32
      %dma_start3A_896 = tpu.memref_slice %arg6[%dma_start3A_894, %dma_start3A_895] : memref<4x80xi32, #tpu.memory_space<vmem>> -> memref<1x80xi32, #tpu.memory_space<vmem>>
      %dma_start3A_897 = tpu.memref_squeeze %dma_start3A_896 : memref<1x80xi32, #tpu.memory_space<vmem>> -> memref<80xi32, #tpu.memory_space<vmem>>
      %dma_start3A_898 = tpu.memref_slice %arg3[%multiple_of3A_893] : memref<320000xi32, #tpu.memory_space<hbm>> -> memref<80xi32, #tpu.memory_space<hbm>>
      %dma_start3A_899 = arith.constant 0 : i32
      %dma_start3A_900 = tpu.memref_slice %arg6[%dma_start3A_894, %dma_start3A_899] : memref<4x80xi32, #tpu.memory_space<vmem>> -> memref<1x80xi32, #tpu.memory_space<vmem>>
      %dma_start3A_901 = tpu.memref_squeeze %dma_start3A_900 : memref<1x80xi32, #tpu.memory_space<vmem>> -> memref<80xi32, #tpu.memory_space<vmem>>
      %dma_start3A_902 = tpu.memref_slice %arg3[%multiple_of3A_893] : memref<320000xi32, #tpu.memory_space<hbm>> -> memref<80xi32, #tpu.memory_space<hbm>>
      tpu.enqueue_dma source(%dma_start3A_902 : memref<80xi32, #tpu.memory_space<hbm>>) target(%dma_start3A_901 : memref<80xi32, #tpu.memory_space<vmem>>) target_semaphore(%arg13 : memref<!tpu.dma_semaphore, #tpu.memory_space<semaphore_mem>>)
      %add3A_903 = arith.constant 80 : i32
      %add3A_904 = arith.addi %multiple_of3A_893, %add3A_903 : i32
      %multiple_of3A_905 = tpu.assume_multiple %add3A_904, 8 : i32
      %dma_start3A_906 = arith.constant 3 : i32
      %dma_start3A_907 = arith.constant 0 : i32
      %dma_start3A_908 = tpu.memref_slice %arg6[%dma_start3A_906, %dma_start3A_907] : memref<4x80xi32, #tpu.memory_space<vmem>> -> memref<1x80xi32, #tpu.memory_space<vmem>>
      %dma_start3A_909 = tpu.memref_squeeze %dma_start3A_908 : memref<1x80xi32, #tpu.memory_space<vmem>> -> memref<80xi32, #tpu.memory_space<vmem>>
      %dma_start3A_910 = tpu.memref_slice %arg3[%multiple_of3A_905] : memref<320000xi32, #tpu.memory_space<hbm>> -> memref<80xi32, #tpu.memory_space<hbm>>
      %dma_start3A_911 = arith.constant 0 : i32
      %dma_start3A_912 = tpu.memref_slice %arg6[%dma_start3A_906, %dma_start3A_911] : memref<4x80xi32, #tpu.memory_space<vmem>> -> memref<1x80xi32, #tpu.memory_space<vmem>>
      %dma_start3A_913 = tpu.memref_squeeze %dma_start3A_912 : memref<1x80xi32, #tpu.memory_space<vmem>> -> memref<80xi32, #tpu.memory_space<vmem>>
      %dma_start3A_914 = tpu.memref_slice %arg3[%multiple_of3A_905] : memref<320000xi32, #tpu.memory_space<hbm>> -> memref<80xi32, #tpu.memory_space<hbm>>
      tpu.enqueue_dma source(%dma_start3A_914 : memref<80xi32, #tpu.memory_space<hbm>>) target(%dma_start3A_913 : memref<80xi32, #tpu.memory_space<vmem>>) target_semaphore(%arg13 : memref<!tpu.dma_semaphore, #tpu.memory_space<semaphore_mem>>)
      %dma_start3A_915 = arith.constant 0 : i32
      %dma_start3A_916 = tpu.memref_slice %arg2[%multiple_of3A_893, %dma_start3A_915] : memref<320000x128xf32, #tpu.memory_space<hbm>> -> memref<160x128xf32, #tpu.memory_space<hbm>>
      %dma_start3A_917 = arith.constant 0 : i32
      %dma_start3A_918 = tpu.memref_slice %arg2[%multiple_of3A_893, %dma_start3A_917] : memref<320000x128xf32, #tpu.memory_space<hbm>> -> memref<160x128xf32, #tpu.memory_space<hbm>>
      tpu.enqueue_dma source(%dma_start3A_918 : memref<160x128xf32, #tpu.memory_space<hbm>>) target(%arg9 : memref<160x128xf32, #tpu.memory_space<vmem>>) target_semaphore(%arg11 : memref<!tpu.dma_semaphore, #tpu.memory_space<semaphore_mem>>)
      %scan3A_919 = arith.constant 0 : i32
      scf.yield %scan3A_919 : i32
    }
    %scan3A_560 = arith.constant 30 : i32
    %dma_wait3A_561 = arith.constant 0 : i32
    %dma_wait3A_562 = arith.constant 0 : i32
    %dma_wait3A_563 = tpu.memref_slice %arg2[%dma_wait3A_561, %dma_wait3A_562] : memref<320000x128xf32, #tpu.memory_space<hbm>> -> memref<160x128xf32, #tpu.memory_space<hbm>>
    %dma_wait3A_564 = arith.constant 0 : i32
    %dma_wait3A_565 = arith.constant 0 : i32
    %dma_wait3A_566 = tpu.memref_slice %arg2[%dma_wait3A_564, %dma_wait3A_565] : memref<320000x128xf32, #tpu.memory_space<hbm>> -> memref<160x128xf32, #tpu.memory_space<hbm>>
    tpu.wait_dma2 semaphore(%arg11 : memref<!tpu.dma_semaphore, #tpu.memory_space<semaphore_mem>>) src(%dma_wait3A_566 : memref<160x128xf32, #tpu.memory_space<hbm>>) dst(%arg9 : memref<160x128xf32, #tpu.memory_space<vmem>>)
    %dma_wait3A_567 = arith.constant 2 : i32
    %dma_wait3A_568 = arith.constant 0 : i32
    %dma_wait3A_569 = tpu.memref_slice %arg6[%dma_wait3A_567, %dma_wait3A_568] : memref<4x80xi32, #tpu.memory_space<vmem>> -> memref<1x80xi32, #tpu.memory_space<vmem>>
    %dma_wait3A_570 = tpu.memref_squeeze %dma_wait3A_569 : memref<1x80xi32, #tpu.memory_space<vmem>> -> memref<80xi32, #tpu.memory_space<vmem>>
    %dma_wait3A_571 = arith.constant 0 : i32
    %dma_wait3A_572 = tpu.memref_slice %arg3[%dma_wait3A_571] : memref<320000xi32, #tpu.memory_space<hbm>> -> memref<80xi32, #tpu.memory_space<hbm>>
    %dma_wait3A_573 = arith.constant 0 : i32
    %dma_wait3A_574 = tpu.memref_slice %arg6[%dma_wait3A_567, %dma_wait3A_573] : memref<4x80xi32, #tpu.memory_space<vmem>> -> memref<1x80xi32, #tpu.memory_space<vmem>>
    %dma_wait3A_575 = tpu.memref_squeeze %dma_wait3A_574 : memref<1x80xi32, #tpu.memory_space<vmem>> -> memref<80xi32, #tpu.memory_space<vmem>>
    %dma_wait3A_576 = arith.constant 0 : i32
    %dma_wait3A_577 = tpu.memref_slice %arg3[%dma_wait3A_576] : memref<320000xi32, #tpu.memory_space<hbm>> -> memref<80xi32, #tpu.memory_space<hbm>>
    tpu.wait_dma2 semaphore(%arg13 : memref<!tpu.dma_semaphore, #tpu.memory_space<semaphore_mem>>) src(%dma_wait3A_577 : memref<80xi32, #tpu.memory_space<hbm>>) dst(%dma_wait3A_575 : memref<80xi32, #tpu.memory_space<vmem>>)
    %dma_wait3A_578 = arith.constant 2 : i32
    %dma_wait3A_579 = arith.constant 0 : i32
    %dma_wait3A_580 = tpu.memref_slice %arg6[%dma_wait3A_578, %dma_wait3A_579] : memref<4x80xi32, #tpu.memory_space<vmem>> -> memref<1x80xi32, #tpu.memory_space<vmem>>
    %dma_wait3A_581 = tpu.memref_squeeze %dma_wait3A_580 : memref<1x80xi32, #tpu.memory_space<vmem>> -> memref<80xi32, #tpu.memory_space<vmem>>
    %dma_wait3A_582 = arith.constant 0 : i32
    %dma_wait3A_583 = tpu.memref_slice %arg3[%dma_wait3A_582] : memref<320000xi32, #tpu.memory_space<hbm>> -> memref<80xi32, #tpu.memory_space<hbm>>
    %dma_wait3A_584 = arith.constant 0 : i32
    %dma_wait3A_585 = tpu.memref_slice %arg6[%dma_wait3A_578, %dma_wait3A_584] : memref<4x80xi32, #tpu.memory_space<vmem>> -> memref<1x80xi32, #tpu.memory_space<vmem>>
    %dma_wait3A_586 = tpu.memref_squeeze %dma_wait3A_585 : memref<1x80xi32, #tpu.memory_space<vmem>> -> memref<80xi32, #tpu.memory_space<vmem>>
    %dma_wait3A_587 = arith.constant 0 : i32
    %dma_wait3A_588 = tpu.memref_slice %arg3[%dma_wait3A_587] : memref<320000xi32, #tpu.memory_space<hbm>> -> memref<80xi32, #tpu.memory_space<hbm>>
    tpu.wait_dma2 semaphore(%arg13 : memref<!tpu.dma_semaphore, #tpu.memory_space<semaphore_mem>>) src(%dma_wait3A_588 : memref<80xi32, #tpu.memory_space<hbm>>) dst(%dma_wait3A_586 : memref<80xi32, #tpu.memory_space<vmem>>)
    %dma_start3A_589 = arith.constant 2 : i32
    %dma_start3A_590 = arith.constant 0 : i32
    %dma_start3A_591 = arith.constant 0 : i32
    %dma_start3A_592 = tpu.memref_slice %arg9[%dma_start3A_590, %dma_start3A_591] : memref<160x128xf32, #tpu.memory_space<vmem>> -> memref<80x128xf32, #tpu.memory_space<vmem>>
    %dma_start3A_593 = arith.constant 0 : i32
    %dma_start3A_594 = tpu.memref_slice %arg6[%dma_start3A_589, %dma_start3A_593] : memref<4x80xi32, #tpu.memory_space<vmem>> -> memref<1x80xi32, #tpu.memory_space<vmem>>
    %dma_start3A_595 = tpu.memref_squeeze %dma_start3A_594 : memref<1x80xi32, #tpu.memory_space<vmem>> -> memref<80xi32, #tpu.memory_space<vmem>>
    %dma_start3A_596 = arith.constant 0 : i32
    %dma_start3A_597 = arith.constant 0 : i32
    %dma_start3A_598 = tpu.memref_slice %arg5[%dma_start3A_596, %dma_start3A_597] : memref<10000x128xf32, #tpu.memory_space<vmem_shared>> -> memref<10000x128xf32, #tpu.memory_space<vmem_shared>>
    tpu.enqueue_indirect_dma source(%dma_start3A_592 : memref<80x128xf32, #tpu.memory_space<vmem>>) target(%dma_start3A_598 : memref<10000x128xf32, #tpu.memory_space<vmem_shared>>) offsets(%dma_start3A_595 : memref<80xi32, #tpu.memory_space<vmem>>) semaphore(%arg15 : memref<!tpu.dma_semaphore, #tpu.memory_space<semaphore_mem>>) {add = true}
    %dma_start3A_599 = arith.constant 3 : i32
    %dma_start3A_600 = arith.constant 80 : i32
    %dma_start3A_601 = arith.constant 0 : i32
    %dma_start3A_602 = tpu.memref_slice %arg9[%dma_start3A_600, %dma_start3A_601] : memref<160x128xf32, #tpu.memory_space<vmem>> -> memref<80x128xf32, #tpu.memory_space<vmem>>
    %dma_start3A_603 = arith.constant 0 : i32
    %dma_start3A_604 = tpu.memref_slice %arg6[%dma_start3A_599, %dma_start3A_603] : memref<4x80xi32, #tpu.memory_space<vmem>> -> memref<1x80xi32, #tpu.memory_space<vmem>>
    %dma_start3A_605 = tpu.memref_squeeze %dma_start3A_604 : memref<1x80xi32, #tpu.memory_space<vmem>> -> memref<80xi32, #tpu.memory_space<vmem>>
    %dma_start3A_606 = arith.constant 0 : i32
    %dma_start3A_607 = arith.constant 0 : i32
    %dma_start3A_608 = tpu.memref_slice %arg5[%dma_start3A_606, %dma_start3A_607] : memref<10000x128xf32, #tpu.memory_space<vmem_shared>> -> memref<10000x128xf32, #tpu.memory_space<vmem_shared>>
    tpu.enqueue_indirect_dma source(%dma_start3A_602 : memref<80x128xf32, #tpu.memory_space<vmem>>) target(%dma_start3A_608 : memref<10000x128xf32, #tpu.memory_space<vmem_shared>>) offsets(%dma_start3A_605 : memref<80xi32, #tpu.memory_space<vmem>>) semaphore(%arg15 : memref<!tpu.dma_semaphore, #tpu.memory_space<semaphore_mem>>) {add = true}
    %dma_wait3A_609 = arith.constant 0 : i32
    %dma_wait3A_610 = arith.constant 0 : i32
    %dma_wait3A_611 = arith.constant 0 : i32
    %dma_wait3A_612 = tpu.memref_slice %arg8[%dma_wait3A_610, %dma_wait3A_611] : memref<160x128xf32, #tpu.memory_space<vmem>> -> memref<80x128xf32, #tpu.memory_space<vmem>>
    %dma_wait3A_613 = arith.constant 0 : i32
    %dma_wait3A_614 = tpu.memref_slice %arg6[%dma_wait3A_609, %dma_wait3A_613] : memref<4x80xi32, #tpu.memory_space<vmem>> -> memref<1x80xi32, #tpu.memory_space<vmem>>
    %dma_wait3A_615 = tpu.memref_squeeze %dma_wait3A_614 : memref<1x80xi32, #tpu.memory_space<vmem>> -> memref<80xi32, #tpu.memory_space<vmem>>
    %dma_wait3A_616 = arith.constant 0 : i32
    %dma_wait3A_617 = arith.constant 0 : i32
    %dma_wait3A_618 = tpu.memref_slice %arg5[%dma_wait3A_616, %dma_wait3A_617] : memref<10000x128xf32, #tpu.memory_space<vmem_shared>> -> memref<10000x128xf32, #tpu.memory_space<vmem_shared>>
    tpu.wait_indirect_dma semaphore(%arg14 : memref<!tpu.dma_semaphore, #tpu.memory_space<semaphore_mem>>) src(%dma_wait3A_612 : memref<80x128xf32, #tpu.memory_space<vmem>>) dst(%dma_wait3A_618 : memref<10000x128xf32, #tpu.memory_space<vmem_shared>>)
    %dma_wait3A_619 = arith.constant 0 : i32
    %dma_wait3A_620 = arith.constant 0 : i32
    %dma_wait3A_621 = arith.constant 0 : i32
    %dma_wait3A_622 = tpu.memref_slice %arg8[%dma_wait3A_620, %dma_wait3A_621] : memref<160x128xf32, #tpu.memory_space<vmem>> -> memref<80x128xf32, #tpu.memory_space<vmem>>
    %dma_wait3A_623 = arith.constant 0 : i32
    %dma_wait3A_624 = tpu.memref_slice %arg6[%dma_wait3A_619, %dma_wait3A_623] : memref<4x80xi32, #tpu.memory_space<vmem>> -> memref<1x80xi32, #tpu.memory_space<vmem>>
    %dma_wait3A_625 = tpu.memref_squeeze %dma_wait3A_624 : memref<1x80xi32, #tpu.memory_space<vmem>> -> memref<80xi32, #tpu.memory_space<vmem>>
    %dma_wait3A_626 = arith.constant 0 : i32
    %dma_wait3A_627 = arith.constant 0 : i32
    %dma_wait3A_628 = tpu.memref_slice %arg5[%dma_wait3A_626, %dma_wait3A_627] : memref<10000x128xf32, #tpu.memory_space<vmem_shared>> -> memref<10000x128xf32, #tpu.memory_space<vmem_shared>>
    tpu.wait_indirect_dma semaphore(%arg14 : memref<!tpu.dma_semaphore, #tpu.memory_space<semaphore_mem>>) src(%dma_wait3A_622 : memref<80x128xf32, #tpu.memory_space<vmem>>) dst(%dma_wait3A_628 : memref<10000x128xf32, #tpu.memory_space<vmem_shared>>)
    %add3A_629 = arith.constant 9920 : i32
    %add3A_630 = arith.addi %mul3A_2, %add3A_629 : i32
    %multiple_of3A_631 = tpu.assume_multiple %add3A_630, 8 : i32
    %dma_start3A_632 = arith.constant 0 : i32
    %dma_start3A_633 = arith.constant 0 : i32
    %dma_start3A_634 = tpu.memref_slice %arg6[%dma_start3A_632, %dma_start3A_633] : memref<4x80xi32, #tpu.memory_space<vmem>> -> memref<1x80xi32, #tpu.memory_space<vmem>>
    %dma_start3A_635 = tpu.memref_squeeze %dma_start3A_634 : memref<1x80xi32, #tpu.memory_space<vmem>> -> memref<80xi32, #tpu.memory_space<vmem>>
    %dma_start3A_636 = tpu.memref_slice %arg3[%multiple_of3A_631] : memref<320000xi32, #tpu.memory_space<hbm>> -> memref<80xi32, #tpu.memory_space<hbm>>
    %dma_start3A_637 = arith.constant 0 : i32
    %dma_start3A_638 = tpu.memref_slice %arg6[%dma_start3A_632, %dma_start3A_637] : memref<4x80xi32, #tpu.memory_space<vmem>> -> memref<1x80xi32, #tpu.memory_space<vmem>>
    %dma_start3A_639 = tpu.memref_squeeze %dma_start3A_638 : memref<1x80xi32, #tpu.memory_space<vmem>> -> memref<80xi32, #tpu.memory_space<vmem>>
    %dma_start3A_640 = tpu.memref_slice %arg3[%multiple_of3A_631] : memref<320000xi32, #tpu.memory_space<hbm>> -> memref<80xi32, #tpu.memory_space<hbm>>
    tpu.enqueue_dma source(%dma_start3A_640 : memref<80xi32, #tpu.memory_space<hbm>>) target(%dma_start3A_639 : memref<80xi32, #tpu.memory_space<vmem>>) target_semaphore(%arg12 : memref<!tpu.dma_semaphore, #tpu.memory_space<semaphore_mem>>)
    %dma_start3A_641 = arith.constant 0 : i32
    %dma_start3A_642 = arith.constant 0 : i32
    %dma_start3A_643 = tpu.memref_slice %arg8[%dma_start3A_641, %dma_start3A_642] : memref<160x128xf32, #tpu.memory_space<vmem>> -> memref<80x128xf32, #tpu.memory_space<vmem>>
    %dma_start3A_644 = arith.constant 0 : i32
    %dma_start3A_645 = tpu.memref_slice %arg2[%multiple_of3A_631, %dma_start3A_644] : memref<320000x128xf32, #tpu.memory_space<hbm>> -> memref<80x128xf32, #tpu.memory_space<hbm>>
    %dma_start3A_646 = arith.constant 0 : i32
    %dma_start3A_647 = arith.constant 0 : i32
    %dma_start3A_648 = tpu.memref_slice %arg8[%dma_start3A_646, %dma_start3A_647] : memref<160x128xf32, #tpu.memory_space<vmem>> -> memref<80x128xf32, #tpu.memory_space<vmem>>
    %dma_start3A_649 = arith.constant 0 : i32
    %dma_start3A_650 = tpu.memref_slice %arg2[%multiple_of3A_631, %dma_start3A_649] : memref<320000x128xf32, #tpu.memory_space<hbm>> -> memref<80x128xf32, #tpu.memory_space<hbm>>
    tpu.enqueue_dma source(%dma_start3A_650 : memref<80x128xf32, #tpu.memory_space<hbm>>) target(%dma_start3A_648 : memref<80x128xf32, #tpu.memory_space<vmem>>) target_semaphore(%arg10 : memref<!tpu.dma_semaphore, #tpu.memory_space<semaphore_mem>>)
    %dma_wait3A_651 = arith.constant 0 : i32
    %dma_wait3A_652 = arith.constant 0 : i32
    %dma_wait3A_653 = tpu.memref_slice %arg8[%dma_wait3A_651, %dma_wait3A_652] : memref<160x128xf32, #tpu.memory_space<vmem>> -> memref<80x128xf32, #tpu.memory_space<vmem>>
    %dma_wait3A_654 = arith.constant 0 : i32
    %dma_wait3A_655 = arith.constant 0 : i32
    %dma_wait3A_656 = tpu.memref_slice %arg2[%dma_wait3A_654, %dma_wait3A_655] : memref<320000x128xf32, #tpu.memory_space<hbm>> -> memref<80x128xf32, #tpu.memory_space<hbm>>
    %dma_wait3A_657 = arith.constant 0 : i32
    %dma_wait3A_658 = arith.constant 0 : i32
    %dma_wait3A_659 = tpu.memref_slice %arg8[%dma_wait3A_657, %dma_wait3A_658] : memref<160x128xf32, #tpu.memory_space<vmem>> -> memref<80x128xf32, #tpu.memory_space<vmem>>
    %dma_wait3A_660 = arith.constant 0 : i32
    %dma_wait3A_661 = arith.constant 0 : i32
    %dma_wait3A_662 = tpu.memref_slice %arg2[%dma_wait3A_660, %dma_wait3A_661] : memref<320000x128xf32, #tpu.memory_space<hbm>> -> memref<80x128xf32, #tpu.memory_space<hbm>>
    tpu.wait_dma2 semaphore(%arg10 : memref<!tpu.dma_semaphore, #tpu.memory_space<semaphore_mem>>) src(%dma_wait3A_662 : memref<80x128xf32, #tpu.memory_space<hbm>>) dst(%dma_wait3A_659 : memref<80x128xf32, #tpu.memory_space<vmem>>)
    %dma_wait3A_663 = arith.constant 0 : i32
    %dma_wait3A_664 = arith.constant 0 : i32
    %dma_wait3A_665 = tpu.memref_slice %arg6[%dma_wait3A_663, %dma_wait3A_664] : memref<4x80xi32, #tpu.memory_space<vmem>> -> memref<1x80xi32, #tpu.memory_space<vmem>>
    %dma_wait3A_666 = tpu.memref_squeeze %dma_wait3A_665 : memref<1x80xi32, #tpu.memory_space<vmem>> -> memref<80xi32, #tpu.memory_space<vmem>>
    %dma_wait3A_667 = arith.constant 0 : i32
    %dma_wait3A_668 = tpu.memref_slice %arg3[%dma_wait3A_667] : memref<320000xi32, #tpu.memory_space<hbm>> -> memref<80xi32, #tpu.memory_space<hbm>>
    %dma_wait3A_669 = arith.constant 0 : i32
    %dma_wait3A_670 = tpu.memref_slice %arg6[%dma_wait3A_663, %dma_wait3A_669] : memref<4x80xi32, #tpu.memory_space<vmem>> -> memref<1x80xi32, #tpu.memory_space<vmem>>
    %dma_wait3A_671 = tpu.memref_squeeze %dma_wait3A_670 : memref<1x80xi32, #tpu.memory_space<vmem>> -> memref<80xi32, #tpu.memory_space<vmem>>
    %dma_wait3A_672 = arith.constant 0 : i32
    %dma_wait3A_673 = tpu.memref_slice %arg3[%dma_wait3A_672] : memref<320000xi32, #tpu.memory_space<hbm>> -> memref<80xi32, #tpu.memory_space<hbm>>
    tpu.wait_dma2 semaphore(%arg12 : memref<!tpu.dma_semaphore, #tpu.memory_space<semaphore_mem>>) src(%dma_wait3A_673 : memref<80xi32, #tpu.memory_space<hbm>>) dst(%dma_wait3A_671 : memref<80xi32, #tpu.memory_space<vmem>>)
    %dma_start3A_674 = arith.constant 0 : i32
    %dma_start3A_675 = arith.constant 0 : i32
    %dma_start3A_676 = arith.constant 0 : i32
    %dma_start3A_677 = tpu.memref_slice %arg8[%dma_start3A_675, %dma_start3A_676] : memref<160x128xf32, #tpu.memory_space<vmem>> -> memref<80x128xf32, #tpu.memory_space<vmem>>
    %dma_start3A_678 = arith.constant 0 : i32
    %dma_start3A_679 = tpu.memref_slice %arg6[%dma_start3A_674, %dma_start3A_678] : memref<4x80xi32, #tpu.memory_space<vmem>> -> memref<1x80xi32, #tpu.memory_space<vmem>>
    %dma_start3A_680 = tpu.memref_squeeze %dma_start3A_679 : memref<1x80xi32, #tpu.memory_space<vmem>> -> memref<80xi32, #tpu.memory_space<vmem>>
    %dma_start3A_681 = arith.constant 0 : i32
    %dma_start3A_682 = arith.constant 0 : i32
    %dma_start3A_683 = tpu.memref_slice %arg5[%dma_start3A_681, %dma_start3A_682] : memref<10000x128xf32, #tpu.memory_space<vmem_shared>> -> memref<10000x128xf32, #tpu.memory_space<vmem_shared>>
    tpu.enqueue_indirect_dma source(%dma_start3A_677 : memref<80x128xf32, #tpu.memory_space<vmem>>) target(%dma_start3A_683 : memref<10000x128xf32, #tpu.memory_space<vmem_shared>>) offsets(%dma_start3A_680 : memref<80xi32, #tpu.memory_space<vmem>>) semaphore(%arg14 : memref<!tpu.dma_semaphore, #tpu.memory_space<semaphore_mem>>) {add = true}
    %dma_wait3A_684 = arith.constant 2 : i32
    %dma_wait3A_685 = arith.constant 0 : i32
    %dma_wait3A_686 = arith.constant 0 : i32
    %dma_wait3A_687 = tpu.memref_slice %arg9[%dma_wait3A_685, %dma_wait3A_686] : memref<160x128xf32, #tpu.memory_space<vmem>> -> memref<80x128xf32, #tpu.memory_space<vmem>>
    %dma_wait3A_688 = arith.constant 0 : i32
    %dma_wait3A_689 = tpu.memref_slice %arg6[%dma_wait3A_684, %dma_wait3A_688] : memref<4x80xi32, #tpu.memory_space<vmem>> -> memref<1x80xi32, #tpu.memory_space<vmem>>
    %dma_wait3A_690 = tpu.memref_squeeze %dma_wait3A_689 : memref<1x80xi32, #tpu.memory_space<vmem>> -> memref<80xi32, #tpu.memory_space<vmem>>
    %dma_wait3A_691 = arith.constant 0 : i32
    %dma_wait3A_692 = arith.constant 0 : i32
    %dma_wait3A_693 = tpu.memref_slice %arg5[%dma_wait3A_691, %dma_wait3A_692] : memref<10000x128xf32, #tpu.memory_space<vmem_shared>> -> memref<10000x128xf32, #tpu.memory_space<vmem_shared>>
    tpu.wait_indirect_dma semaphore(%arg15 : memref<!tpu.dma_semaphore, #tpu.memory_space<semaphore_mem>>) src(%dma_wait3A_687 : memref<80x128xf32, #tpu.memory_space<vmem>>) dst(%dma_wait3A_693 : memref<10000x128xf32, #tpu.memory_space<vmem_shared>>)
    %dma_wait3A_694 = arith.constant 2 : i32
    %dma_wait3A_695 = arith.constant 0 : i32
    %dma_wait3A_696 = arith.constant 0 : i32
    %dma_wait3A_697 = tpu.memref_slice %arg9[%dma_wait3A_695, %dma_wait3A_696] : memref<160x128xf32, #tpu.memory_space<vmem>> -> memref<80x128xf32, #tpu.memory_space<vmem>>
    %dma_wait3A_698 = arith.constant 0 : i32
    %dma_wait3A_699 = tpu.memref_slice %arg6[%dma_wait3A_694, %dma_wait3A_698] : memref<4x80xi32, #tpu.memory_space<vmem>> -> memref<1x80xi32, #tpu.memory_space<vmem>>
    %dma_wait3A_700 = tpu.memref_squeeze %dma_wait3A_699 : memref<1x80xi32, #tpu.memory_space<vmem>> -> memref<80xi32, #tpu.memory_space<vmem>>
    %dma_wait3A_701 = arith.constant 0 : i32
    %dma_wait3A_702 = arith.constant 0 : i32
    %dma_wait3A_703 = tpu.memref_slice %arg5[%dma_wait3A_701, %dma_wait3A_702] : memref<10000x128xf32, #tpu.memory_space<vmem_shared>> -> memref<10000x128xf32, #tpu.memory_space<vmem_shared>>
    tpu.wait_indirect_dma semaphore(%arg15 : memref<!tpu.dma_semaphore, #tpu.memory_space<semaphore_mem>>) src(%dma_wait3A_697 : memref<80x128xf32, #tpu.memory_space<vmem>>) dst(%dma_wait3A_703 : memref<10000x128xf32, #tpu.memory_space<vmem_shared>>)
    %dma_wait3A_704 = arith.constant 0 : i32
    %dma_wait3A_705 = arith.constant 0 : i32
    %dma_wait3A_706 = arith.constant 0 : i32
    %dma_wait3A_707 = tpu.memref_slice %arg8[%dma_wait3A_705, %dma_wait3A_706] : memref<160x128xf32, #tpu.memory_space<vmem>> -> memref<80x128xf32, #tpu.memory_space<vmem>>
    %dma_wait3A_708 = arith.constant 0 : i32
    %dma_wait3A_709 = tpu.memref_slice %arg6[%dma_wait3A_704, %dma_wait3A_708] : memref<4x80xi32, #tpu.memory_space<vmem>> -> memref<1x80xi32, #tpu.memory_space<vmem>>
    %dma_wait3A_710 = tpu.memref_squeeze %dma_wait3A_709 : memref<1x80xi32, #tpu.memory_space<vmem>> -> memref<80xi32, #tpu.memory_space<vmem>>
    %dma_wait3A_711 = arith.constant 0 : i32
    %dma_wait3A_712 = arith.constant 0 : i32
    %dma_wait3A_713 = tpu.memref_slice %arg5[%dma_wait3A_711, %dma_wait3A_712] : memref<10000x128xf32, #tpu.memory_space<vmem_shared>> -> memref<10000x128xf32, #tpu.memory_space<vmem_shared>>
    tpu.wait_indirect_dma semaphore(%arg14 : memref<!tpu.dma_semaphore, #tpu.memory_space<semaphore_mem>>) src(%dma_wait3A_707 : memref<80x128xf32, #tpu.memory_space<vmem>>) dst(%dma_wait3A_713 : memref<10000x128xf32, #tpu.memory_space<vmem_shared>>)
    %barrier3A_714 = arith.constant 0 : index
    tpu.barrier barrier_id(%barrier3A_714)
    "tpu.region"() ({
      %run_scoped3A = tpu.sem_alloc : memref<!tpu.dma_semaphore, #tpu.memory_space<semaphore_mem>>
      %dma_start3A_715 = arith.constant 0 : i32
      %dma_start3A_716 = arith.constant 0 : i32
      %dma_start3A_717 = tpu.memref_slice %arg4[%arg0, %dma_start3A_715, %dma_start3A_716] : memref<2x10000x128xf32, #tpu.memory_space<hbm>> -> memref<1x10000x128xf32, #tpu.memory_space<hbm>>
      %dma_start3A_718 = tpu.memref_squeeze %dma_start3A_717 : memref<1x10000x128xf32, #tpu.memory_space<hbm>> -> memref<10000x128xf32, #tpu.memory_space<hbm>>
      %dma_start3A_719 = arith.constant 0 : i32
      %dma_start3A_720 = tpu.memref_slice %dma_start3A_718[%multiple_of3A, %dma_start3A_719] : memref<10000x128xf32, #tpu.memory_space<hbm>> -> memref<640x128xf32, #tpu.memory_space<hbm>>
      %dma_start3A_721 = arith.constant 0 : i32
      %dma_start3A_722 = tpu.memref_slice %arg5[%multiple_of3A, %dma_start3A_721] : memref<10000x128xf32, #tpu.memory_space<vmem_shared>> -> memref<640x128xf32, #tpu.memory_space<vmem_shared>>
      tpu.enqueue_dma source(%dma_start3A_722 : memref<640x128xf32, #tpu.memory_space<vmem_shared>>) target(%dma_start3A_720 : memref<640x128xf32, #tpu.memory_space<hbm>>) target_semaphore(%run_scoped3A : memref<!tpu.dma_semaphore, #tpu.memory_space<semaphore_mem>>)
      %dma_wait3A_723 = arith.constant 0 : i32
      %dma_wait3A_724 = arith.constant 0 : i32
      %dma_wait3A_725 = tpu.memref_slice %arg4[%arg0, %dma_wait3A_723, %dma_wait3A_724] : memref<2x10000x128xf32, #tpu.memory_space<hbm>> -> memref<1x10000x128xf32, #tpu.memory_space<hbm>>
      %dma_wait3A_726 = tpu.memref_squeeze %dma_wait3A_725 : memref<1x10000x128xf32, #tpu.memory_space<hbm>> -> memref<10000x128xf32, #tpu.memory_space<hbm>>
      %dma_wait3A_727 = arith.constant 0 : i32
      %dma_wait3A_728 = tpu.memref_slice %dma_wait3A_726[%multiple_of3A, %dma_wait3A_727] : memref<10000x128xf32, #tpu.memory_space<hbm>> -> memref<640x128xf32, #tpu.memory_space<hbm>>
      %dma_wait3A_729 = arith.constant 0 : i32
      %dma_wait3A_730 = tpu.memref_slice %arg5[%multiple_of3A, %dma_wait3A_729] : memref<10000x128xf32, #tpu.memory_space<vmem_shared>> -> memref<640x128xf32, #tpu.memory_space<vmem_shared>>
      tpu.wait_dma2 semaphore(%run_scoped3A : memref<!tpu.dma_semaphore, #tpu.memory_space<semaphore_mem>>) src(%dma_wait3A_730 : memref<640x128xf32, #tpu.memory_space<vmem_shared>>) dst(%dma_wait3A_728 : memref<640x128xf32, #tpu.memory_space<hbm>>)
      tpu.yield
    }) : () -> ()
    return
  }
}

module attributes {stable_mosaic.version = 14 : i64} {
  func.func @body(%arg0: i32, %arg1: memref<2x1000x128xf32, #tpu.memory_space<vmem>>, %arg2: memref<1000x128xf32, #tpu.memory_space<vmem>>) attributes {dimension_semantics = [#tpu.dimension_semantics<arbitrary>], iteration_bounds = array<i64: 10>, scalar_prefetch = 0 : i64, scratch_operands = 0 : i64, tpu.core_type = #tpu.core_type<tc>, window_params = [{transform_indices = @transform_0, window_bounds = array<i64: 2, 1000, 128>}, {transform_indices = @transform_1, window_bounds = array<i64: 1000, 128>}]} {
    %get3A = arith.constant 0 : index
    %get3A_0 = arith.constant 0 : index
    %get3A_1 = arith.constant 0 : index
    %get3A_2 = vector.load %arg1[%get3A, %get3A_0, %get3A_1] : memref<2x1000x128xf32, #tpu.memory_space<vmem>>, vector<1x1000x128xf32>
    %get3A_3 = vector.shape_cast %get3A_2 : vector<1x1000x128xf32> to vector<1000x128xf32>
    %get3A_4 = arith.constant 1 : index
    %get3A_5 = arith.constant 0 : index
    %get3A_6 = arith.constant 0 : index
    %get3A_7 = vector.load %arg1[%get3A_4, %get3A_5, %get3A_6] : memref<2x1000x128xf32, #tpu.memory_space<vmem>>, vector<1x1000x128xf32>
    %get3A_8 = vector.shape_cast %get3A_7 : vector<1x1000x128xf32> to vector<1000x128xf32>
    %add3A = arith.addf %get3A_3, %get3A_8 : vector<1000x128xf32>
    %swap3A = arith.constant 0 : index
    %swap3A_9 = arith.constant 0 : index
    %swap3A_10 = vector.load %arg2[%swap3A, %swap3A_9] : memref<1000x128xf32, #tpu.memory_space<vmem>>, vector<1000x128xf32>
    tpu.vector_store %arg2[%swap3A, %swap3A_9], %add3A {strides = array<i32>} : memref<1000x128xf32, #tpu.memory_space<vmem>>, vector<1000x128xf32>,
    return
  }
  func.func @transform_0(%arg0: i32) -> (i32, i32, i32) {
    %c0_i32 = arith.constant 0 : i32
    %c0_i32_0 = arith.constant 0 : i32
    %c0_i32_1 = arith.constant 0 : i32
    return %c0_i32, %arg0, %c0_i32_0 : i32, i32, i32
  }
  func.func @transform_1(%arg0: i32) -> (i32, i32) {
    %c0_i32 = arith.constant 0 : i32
    %c0_i32_0 = arith.constant 0 : i32
    return %arg0, %c0_i32 : i32, i32
  }
}

</mosaic_0001>

<sc_bundles>
// kernel: kernel.4.cloned.1.call-start
scs
__scs_entry_jumppad:
0x0: {  	(pc) =	sbr.rel $0x88, $3  }
0x1: {  	(tag) =	ssettag $0x0;
	lr =	simm.s32 $0x1  }
0x2: {  	[smem:$0x3F9F] =	sst lr;
	_ =	strace $0xD0000000  }
0x3: {  	_ = 	snop  }
0x4: {  	_ = 	snop  }
0x5: {  	_ = 	snop  }
0x6: {  	_ = 	snop  }
0x7: {  	_ = 	snop  }
__scs_overlays_trampoline_lowered:
0x8: {  	[smem:$0x3FAE] =	sst s0  }
0x9: {  	[smem:$0x3FAF] =	sst s1  }
0xa: {  	[smem:$0x3FB0] =	sst s2  }
0xb: {  	[smem:$0x3FB1] =	sst s3  }
0xc: {  	[smem:$0x3FB2] =	sst s4  }
0xd: {  	[smem:$0x3FB3] =	sst s5  }
0xe: {  	[smem:$0x3FB4] =	sst s6  }
0xf: {  	[smem:$0x3FB5] =	sst s7  }
0x10: {  	[smem:$0x3FB6] =	sst s8  }
0x11: {  	[smem:$0x3FB7] =	sst s9;
	s0 =	simm.s32 @!p0 $0x0  }
0x12: {  	s1 =	sld [smem:$0x3F9D];
	s0 =	simm.s32 @p0 $0x1  }
0x13: {  	[smem:$0x3FB8] =	sst s0;
	s0 =	simm.s32 @!p1 $0x0  }
0x14: {  	s2 =	sld [smem:$0x3F9C];
	s0 =	simm.s32 @p1 $0x1  }
0x15: {  	[smem:$0x3FB9] =	sst s0;
	s0 =	simm.s32 @!p2 $0x0  }
0x16: {  	s3 =	sld [smem:$0x3FDB];
	s0 =	simm.s32 @p2 $0x1  }
0x17: {  	s4 =	simm.s32 $0x1BF5;
	[smem:$0x3FBB] =	sst s0  }
0x18: {  	s0 =	sld [smem:$0x3F9E];
	_ =	swait.ge [sflag:s4], $0x0  }
0x19: {  	s7 =	sld [smem:$0x3F9F]  }
0x1a: {  	s8 =	sadd.s32 $0xFFFFE003, lr  }
0x1b: {  	s9 =	sadd.s32 $0xFFFFFEF7, lr;
	s5 =	simm.s32 $0xFFFFFFFF;
	p2 =	slt.u32 s8, $0xFFFFF086  }
0x1c: {  	p1 =	slt.u32 s9, $0xF7A;
	s5 =	simm.s32 @!p2 $0x0  }
0x1d: {  	s5 =	simm.s32 @p1 $0x1;
	p0 =	seq.s32 s7, s2  }
0x1e: {  	s7 =	smul.u32 @!p0 $0xF7A, s2;
	p2 =	seq.s32 @!p0 s5, $0x0  }
0x1f: {  	s9 =	smul.u32 $0xF7A, s1;
	s8 =	simm.s32 @!p0 $0x1BF5;
	p2 =	por !p2, p0  }
0x20: {  	[sflag:s8] =	ssyncset.s32 @!p0 $0xFFFFF086;
	s6 =	sadd.s32 @!p0 s3, s7;
	s7 =	simm.s32 @!p0 $0x108  }
0x21: {  	s3 =	sadd.s32 s3, s9;
	s6 =	sadd.s32 @!p0 $0x88, s6;
	s7 =	simm.s32 @p2 $0x1082  }
0x22: {  	[simem:s7], [sflag:s8] =	dma.local @!p0 [hbm:s6], $0xF7A  }
0x23: {  	s9 =	sor.u32 $0xD0000000, s2;
	s6 =	simm.s32 $0x108;
	_ =	swait.ge @!p0 [sflag:s8], $0x0  }
0x24: {  	s3 =	sadd.s32 $0x88, s3;
	s6 =	simm.s32 @!p1 $0x1082;
	[sflag:s4] =	ssyncset.s32 $0xFFFFF086  }
0x25: {  	[simem:s6], [sflag:s4] =	dma.local [hbm:s3], $0xF7A  }
0x26: {  	[smem:$0x3F9F] =	sst s1;
	(tag) =	ssettag s2;
	_ =	strace s9  }
0x27: {  	s1 =	sld [smem:$0x3FAF]  }
0x28: {  	s2 =	sld [smem:$0x3FB0]  }
0x29: {  	s4 =	sld [smem:$0x3FB2]  }
0x2a: {  	p0 =	seq.s32 s5, $0x0;
	s5 =	sld [smem:$0x3FB3]  }
0x2b: {  	s6 =	sld [smem:$0x3FB4]  }
0x2c: {  	s7 =	sld [smem:$0x3FB5]  }
0x2d: {  	s3 =	simm.s32 $0x108;
	s8 =	sld [smem:$0x3FB6]  }
0x2e: {  	s3 =	simm.s32 @!p0 $0x1082;
	s9 =	sld [smem:$0x3FB7]  }
0x2f: {  	lr =	sadd.s32 s0, s3;
	s0 =	sld [smem:$0x3FAE]  }
0x30: {  	s3 =	sld [smem:$0x3FB1]  }
0x31: {  	[smem:$0x3FBA] =	sst s10  }
0x32: {  	s10 =	sld [smem:$0x3FB8];
	_ =	sdelay $0x3  }
0x33: {  	p0 =	seq.s32 s10, $0x1;
	s10 =	sld [smem:$0x3FBA];
	_ =	sdelay $0x3  }
0x34: {  	[smem:$0x3FBA] =	sst s10  }
0x35: {  	s10 =	sld [smem:$0x3FB9];
	_ =	sdelay $0x3  }
0x36: {  	p1 =	seq.s32 s10, $0x1;
	s10 =	sld [smem:$0x3FBA];
	_ =	sdelay $0x3  }
0x37: {  	[smem:$0x3FBA] =	sst s10  }
0x38: {  	s10 =	sld [smem:$0x3FBB]  }
0x39: {  	_ = 	snop;
	(pc) =	sbr.ind lr, $3  }
0x3a: {  	_ = 	snop  }
0x3b: {  	_ = 	snop  }
0x3c: {  	p2 =	seq.s32 s10, $0x1;
	s10 =	sld [smem:$0x3FBA]  }
0x3d: {  	_ =	shalt  }
0x3e: {  	_ =	shalt  }
0x3f: {  	_ =	shalt  }
0x40: {  	_ =	shalt  }
0x41: {  	_ =	shalt  }
0x42: {  	_ =	shalt  }
0x43: {  	_ =	shalt  }
0x44: {  	_ =	shalt  }
0x45: {  	_ =	shalt  }
0x46: {  	_ =	shalt  }
0x47: {  	_ =	shalt  }
0x48: {  	_ =	shalt  }
0x49: {  	_ =	shalt  }
0x4a: {  	_ =	shalt  }
0x4b: {  	_ =	shalt  }
0x4c: {  	_ =	shalt  }
0x4d: {  	_ =	shalt  }
0x4e: {  	_ =	shalt  }
0x4f: {  	_ =	shalt  }
0x50: {  	_ =	shalt  }
0x51: {  	_ =	shalt  }
0x52: {  	_ =	shalt  }
0x53: {  	_ =	shalt  }
0x54: {  	_ =	shalt  }
0x55: {  	_ =	shalt  }
0x56: {  	_ =	shalt  }
0x57: {  	_ =	shalt  }
0x58: {  	_ =	shalt  }
0x59: {  	_ =	shalt  }
0x5a: {  	_ =	shalt  }
0x5b: {  	_ =	shalt  }
0x5c: {  	_ =	shalt  }
0x5d: {  	_ =	shalt  }
0x5e: {  	_ =	shalt  }
0x5f: {  	_ =	shalt  }
0x60: {  	_ =	shalt  }
0x61: {  	_ =	shalt  }
0x62: {  	_ =	shalt  }
0x63: {  	_ =	shalt  }
0x64: {  	_ =	shalt  }
0x65: {  	_ =	shalt  }
0x66: {  	_ =	shalt  }
0x67: {  	_ =	shalt  }
0x68: {  	_ =	shalt  }
0x69: {  	_ =	shalt  }
0x6a: {  	_ =	shalt  }
0x6b: {  	_ =	shalt  }
0x6c: {  	_ =	shalt  }
0x6d: {  	_ =	shalt  }
0x6e: {  	_ =	shalt  }
0x6f: {  	_ =	shalt  }
0x70: {  	_ =	shalt  }
0x71: {  	_ =	shalt  }
0x72: {  	_ =	shalt  }
0x73: {  	_ =	shalt  }
0x74: {  	_ =	shalt  }
0x75: {  	_ =	shalt  }
0x76: {  	_ =	shalt  }
0x77: {  	_ =	shalt  }
0x78: {  	_ =	shalt  }
0x79: {  	_ =	shalt  }
0x7a: {  	_ =	shalt  }
0x7b: {  	_ =	shalt  }
0x7c: {  	_ =	shalt  }
0x7d: {  	_ =	shalt  }
0x7e: {  	_ =	shalt  }
0x7f: {  	_ =	shalt  }
0x80: {  	_ =	shalt  }
0x81: {  	_ =	shalt  }
0x82: {  	_ =	shalt  }
0x83: {  	_ =	shalt  }
0x84: {  	_ =	shalt  }
0x85: {  	_ =	shalt  }
0x86: {  	_ =	shalt  }
0x87: {  	_ =	shalt  }
.Lfunc_end0:
.L_simem_size_0:
called_computation_lowered:
.L_overlay_start_0:
0x88: {  	s2 =	sld [smem:$0x3FD9]  }
0x89: {  	s3 =	sld [smem:$0x3FFE];
	_ =	sdelay $0x1  }
0x8a: {  	s1 =	srdreg.scid  }
0x8b: {  	s0 =	sand.u32 $0x1, s1  }
0x8c: {  	s17 =	sshll.u32 s0, $0xA;
	s2 =	sadd.s32 s3, s2  }
0x8d: {  	s2 =	sadd.s32 s2, s17  }
0x8e: {  	[smem:$0x3FC6] =	sst s2  }
0x8f: {  	_ = 	snop  }
0x90: {  	s2 =	sld [smem:$0x3FC9]  }
0x91: {  	s18 =	sld [smem:$0x3FC8];
	(tm) =	ssettm $0x1  }
0x92: {  	s4 =	sld [smem:$0x3FFB];
	_ =	sdelay $0x3  }
0x93: {  	_ =	strace s4  }
0x94: {  	s4 =	sld [smem:$0x3FFC];
	_ =	sdelay $0x3  }
0x95: {  	_ =	strace s4  }
0x96: {  	s4 =	sld [smem:$0x3FFD];
	_ =	sdelay $0x3  }
0x97: {  	_ =	strace s4  }
0x98: {  	_ =	strace $0x8FFFFFFF  }
0x99: {  	s19 =	sld [smem:$0x3FDB];
	_ =	sdelay $0x1  }
0x9a: {  	s5 =	simm.s32 $_scs_section_size  }
0x9b: {  	s6 =	simm.s32 $_size__tile_overlayer_lowered;
	s7 =	simm.s32 $_tile_overlayer_lowered  }
0x9c: {  	s22 =	simm.s32 $0x1BFF;
	s21 =	sshll.u32 s7, $0x1;
	s4 =	sadd.s32 s5, s19  }
0x9d: {  	s8 =	simm.s32 $0x0;
	s20 =	sshll.u32 s6, $0x1;
	s6 =	sadd.s32 s21, s4  }
0x9e: {  	[timem:s8], [sflag:s22] =	dma.local [hbm:s6], s20  }
0x9f: {  	_ =	swait.ge [sflag:s22], s20  }
0xa0: {  	s5 =	ssub.s32 $0x0, s20;
	[sflag:s22] =	ssyncset.done $0x0  }
0xa1: {  	[sflag:s22] =	ssyncadd.s32 s5;
	_ =	sdelay $0x1  }
0xa2: {  	s23 =	simm.s32 $0x1B8B  }
0xa3: {  	_ =	swait.ge [sflag:s23], $0x1  }
0xa4: {  	[sflag:s23] =	ssyncset.done $0x0  }
0xa5: {  	s25 =	simm.s32 $0x1B8E;
	s24 =	sld [smem:$0x3FFE];
	[sflag:s23] =	ssyncadd.s32 $0xFFFFFFFF  }
0xa6: {  	s26 =	simm.s32 $execute0_lowered;
	[smem:$0x3FD2] =	sst s25  }
0xa7: {  	s6 =	sshll.u32 s26, $0x1;
	_ =	strace $0x80000046;
	[dreg:$0x1] =	wrdreg $0xFFFFFFFF  }
0xa8: {  	s28 =	simm.s32 $_size_execute0_lowered;
	s4 =	sadd.s32 s4, s6;
	[dreg:$0x0] =	wrdreg $0x0  }
0xa9: {  	s6 =	sshll.u32 s28, $0x1;
	[dreg:$0x2] =	wrdreg s4  }
0xaa: {  	[dreg:$0x3] =	wrdreg s6  }
0xab: {  	[dreg:$0x4] =	wrdreg $0xC0  }
0xac: {  	_ =	task [dreg:s8], $0x5FFFF  }
0xad: {  	[dreg:$0x1] =	wrdreg $0xFFFFFFFF  }
0xae: {  	[dreg:$0x0] =	wrdreg $0x60  }
0xaf: {  	[dreg:$0x2] =	wrdreg s2  }
0xb0: {  	[dreg:$0x3] =	wrdreg s18  }
0xb1: {  	[dreg:$0x4] =	wrdreg s24  }
0xb2: {  	[dreg:$0x5] =	wrdreg $0x0  }
0xb3: {  	[dreg:$0x6] =	wrdreg $0x9  }
0xb4: {  	_ =	task.clear_ibuf [dreg:s8], $0x7FFFF;
	_ =	strace $0x90000046  }
0xb5: {  	s29 =	simm.s32 $0x9;
	_ =	strace $0x80000048  }
0xb6: {  	_ =	swait.ge [sflag:s29], $0x1  }
0xb7: {  	[sflag:s29] =	ssyncadd.s32 $0xFFFFFFFF  }
0xb8: {  	_ =	strace $0x90000048  }
0xb9: {  	_ =	sfence  }
0xba: {  	s30 =	sld [smem:$0x0];
	_ =	sdelay $0x2  }
0xbb: {  	s31 =	sshll.u32 s1, $0xD;
	s1 =	sshrl.u32 s1, $0x2  }
0xbc: {  	s3 =	sand.u32 $0x4000, s31;
	s1 =	sadd.s32 s1, s30  }
0xbd: {  	s0 =	sor.u32 s3, s0;
	s1 =	sshll.u32 s1, $0x11  }
0xbe: {  	s0 =	sor.u32 s1, s0  }
0xbf: {  	s0 =	sadd.s32 $0x8F2B, s0  }
0xc0: {  	[sflag:s0] =	ssyncadd.remote.s32 $0x1  }
0xc1: {  	_ =	sfence.sel $0xFFFF  }
0xc2: {  	[dreg:$0x0] =	wrdreg $0xFFFFFFFF;
	(pc) =	sbr.abs _section_cstart, $3  }
0xc3: {  	[dreg:$0x1] =	wrdreg $0xFFFFFFFF  }
0xc4: {  	_ =	task.clear_ibuf [dreg:s8], $0x2FFFF;
	_ =	strace $0x9FFFFFFF  }
0xc5: {  	(tm) =	ssettm $0x7FFFFFFF  }
tec
execute0_lowered:
.L_overlay_start_1:
0x0: {  	(tag) =	ssettag $0x1  }
0x1: {  	s0 =	rddreg [dreg:$0x0];
	s4 =	srdreg.scid  }
0x2: {  	s1 =	rddreg [dreg:$0x1];
	s5 =	sand.u32 $0x1, s4  }
0x3: {  	s2 =	rddreg [dreg:$0x2];
	s12 =	stileid.u32;
	s6 =	sshll.u32 s5, $0x4  }
0x4: {  	s3 =	rddreg [dreg:$0x3];
	s23 =	smul.u32 $0x4E000, s12;
	s6 =	sor.u32 s12, s6  }
0x5: {  	s4 =	simm.s32 $0x0;
	s9 =	ssub.s32 $0x2, s5;
	s8 =	smul.u32 $0x2710, s6  }
0x6: {  	[smem:$0x7FF] =	sst s4;
	s11 =	sshrl.u32 s9, $0x1;
	s6 =	smul.u32 $0x27100, s6  }
0x7: {  	_ =	strace $0x80000047;
	s11 =	ssub.s32 s9, s11;
	s10 =	sshrl.u32 s8, $0x3  }
0x8: {  	s25 =	sadd.s32 $0xA0, s8;
	s6 =	sadd.s32 s0, s6;
	s20 =	sadd.s32 $0x26C0, s8  }
0x9: {  	s13 =	sadd.s32 s1, s10;
	[dreg:$0x8] =	wrdreg s6;
	s26 =	sshrl.u32 s25, $0x3  }
0xa: {  	s10 =	sshrl.u32 s23, $0x2;
	s24 =	sadd.s32 $0xA, s13;
	[dreg:$0x6] =	wrdreg s13  }
0xb: {  	s31 =	sshll.u32 s25, $0x4;
	s6 =	sadd.s32 s1, s26;
	[dreg:$0x7] =	wrdreg s24  }
0xc: {  	s23 =	sshll.u32 s20, $0x4;
	s14 =	sadd.s32 $0x1E, s13;
	[dreg:$0x9] =	wrdreg s6  }
0xd: {  	s9 =	sadd.s32 s10, s3;
	s10 =	sadd.s32 s0, s23;
	[dreg:$0xa] =	wrdreg s14  }
0xe: {  	s6 =	sadd.s32 s0, s31;
	[dreg:$0x12] =	wrdreg s10  }
0xf: {  	s21 =	smul.u32 $0x2710, s12;
	s15 =	sadd.s32 $0x800, s9;
	[dreg:$0xb] =	wrdreg s6  }
0x10: {  	s7 =	smul.u32 $0x27100, s5;
	s16 =	sadd.s32 $0x1000, s9;
	[dreg:$0xc] =	wrdreg s15  }
0x11: {  	s5 =	smul.u32 $0x271000, s5;
	s17 =	sadd.s32 $0x1800, s9;
	[dreg:$0xd] =	wrdreg s16  }
0x12: {  	s2 =	sadd.s32 s7, s2;
	s18 =	sadd.s32 $0x2000, s9;
	[dreg:$0xe] =	wrdreg s17  }
0x13: {  	s7 =	sadd.s32 s21, s7;
	s19 =	sadd.s32 $0x2800, s9;
	[dreg:$0xf] =	wrdreg s18  }
0x14: {  	s2 =	sadd.s32 $0x600, s2;
	s22 =	sadd.s32 $0x3000, s9;
	[dreg:$0x10] =	wrdreg s19  }
0x15: {  	s26 =	smul.u32 $0x2700, s12;
	s31 =	smax.u32 s11, $0x1;
	[dreg:$0x11] =	wrdreg s22  }
0x16: {  	s24 =	smul.u32 $0x27100, s12;
	s12 =	sadd.s32 $0x140, s7;
	[dreg:$0x14] =	wrdreg s31  }
0x17: {  	s8 =	sadd.s32 $0x1E0, s7;
	s13 =	sadd.s32 $0x3800, s9;
	[dreg:$0x16] =	wrdreg s12  }
0x18: {  	s25 =	sshrl.u32 s8, $0x3;
	s14 =	sadd.s32 $0x4000, s9;
	[dreg:$0x17] =	wrdreg s13  }
0x19: {  	s8 =	sadd.s32 $0x230, s7;
	s21 =	sadd.s32 $0x7800, s9;
	[dreg:$0x18] =	wrdreg s14  }
0x1a: {  	s0 =	sadd.s32 s5, s0;
	s5 =	sadd.s32 $0xA800, s9;
	[dreg:$0x1f] =	wrdreg s21  }
0x1b: {  	s10 =	sadd.s32 $0x190, s7;
	s7 =	sadd.s32 $0xB800, s9;
	[smem:$0x7EB] =	sst s5  }
0x1c: {  	s2 =	sadd.s32 s26, s2;
	[smem:$0x7ED] =	sst s7  }
0x1d: {  	s15 =	sadd.s32 $0x4800, s9;
	[dreg:$0x15] =	wrdreg s2  }
0x1e: {  	s16 =	sadd.s32 $0x5000, s9;
	[dreg:$0x19] =	wrdreg s15  }
0x1f: {  	s17 =	sadd.s32 $0x5800, s9;
	[dreg:$0x1a] =	wrdreg s16  }
0x20: {  	s18 =	sadd.s32 $0x6000, s9;
	[dreg:$0x1b] =	wrdreg s17  }
0x21: {  	s19 =	sadd.s32 $0x6800, s9;
	[dreg:$0x1c] =	wrdreg s18  }
0x22: {  	s6 =	sshrl.u32 s20, $0x3;
	s20 =	sadd.s32 $0x7000, s9;
	[dreg:$0x1d] =	wrdreg s19  }
0x23: {  	s22 =	sadd.s32 $0x8000, s9;
	[dreg:$0x1e] =	wrdreg s20  }
0x24: {  	s26 =	sadd.s32 $0x9000, s9;
	[smem:$0x7E6] =	sst s22  }
0x25: {  	s31 =	sadd.s32 $0x9800, s9;
	[smem:$0x7E8] =	sst s26  }
0x26: {  	s11 =	sshrl.u32 s10, $0x3;
	s10 =	sadd.s32 $0xC000, s9;
	[smem:$0x7E9] =	sst s31  }
0x27: {  	s12 =	sadd.s32 $0xD000, s9;
	[smem:$0x7EE] =	sst s10  }
0x28: {  	s13 =	sadd.s32 $0xD800, s9;
	[smem:$0x7F0] =	sst s12  }
0x29: {  	s28 =	simm.s32 $0x1BA80;
	s14 =	sadd.s32 $0xE000, s9;
	[smem:$0x7F1] =	sst s13  }
0x2a: {  	s29 =	simm.s32 $0x5;
	s21 =	sadd.s32 $0x11800, s9;
	[smem:$0x7F2] =	sst s14  }
0x2b: {  	s30 =	simm.s32 $0x6;
	s6 =	sadd.s32 s1, s6;
	[smem:$0x7F9] =	sst s21  }
0x2c: {  	s0 =	sadd.s32 s24, s0;
	s24 =	sadd.s32 $0x8800, s9;
	[dreg:$0x13] =	wrdreg s6  }
0x2d: {  	s5 =	simm.s32 $0x50;
	s2 =	sadd.s32 $0xA000, s9;
	[smem:$0x7E7] =	sst s24  }
0x2e: {  	s15 =	sadd.s32 $0xE800, s9;
	s16 =	sadd.s32 $0xF000, s9;
	[smem:$0x7EA] =	sst s2  }
0x2f: {  	s17 =	sadd.s32 $0xF800, s9;
	s18 =	sadd.s32 $0x10000, s9;
	[smem:$0x7F3] =	sst s15  }
0x30: {  	s19 =	sadd.s32 $0x10800, s9;
	s20 =	sadd.s32 $0x11000, s9;
	[smem:$0x7F4] =	sst s16  }
0x31: {  	s22 =	sadd.s32 $0x12000, s9;
	s26 =	sadd.s32 $0x13000, s9;
	[smem:$0x7F5] =	sst s17  }
0x32: {  	s31 =	sadd.s32 $0x13800, s9;
	s10 =	simm.s32 $0x13880;
	[smem:$0x7F6] =	sst s18  }
0x33: {  	s12 =	simm.s32 $0x14280;
	s13 =	simm.s32 $0x13980;
	[smem:$0x7F7] =	sst s19  }
0x34: {  	s14 =	simm.s32 $0x13A00;
	s21 =	simm.s32 $0x2;
	[smem:$0x7F8] =	sst s20  }
0x35: {  	s6 =	sadd.s32 s25, s1;
	s25 =	sadd.s32 s11, s1;
	[smem:$0x7FA] =	sst s22  }
0x36: {  	s11 =	sadd.s32 $0xC800, s9;
	s24 =	sadd.s32 $0x12800, s9;
	[smem:$0x7FC] =	sst s26  }
0x37: {  	[smem:$0x7FD] =	sst s31;
	s15 =	simm.s32 $0x19280;
	s16 =	simm.s32 $0x13A80  }
0x38: {  	s17 =	simm.s32 $0x7;
	s18 =	simm.s32 $0x1;
	s19 =	simm.s32 $0x3  }
0x39: {  	s20 =	simm.s32 $0x16A80;
	s26 =	simm.s32 $0x4;
	[dreg:$0x5] =	wrdreg s6  }
0x3a: {  	s6 =	sshrl.u32 s8, $0x3;
	s8 =	sadd.s32 $0x1E00, s0;
	[smem:$0x7EF] =	sst s11  }
0x3b: {  	[smem:$0x7FB] =	sst s24;
	s23 =	sadd.s32 s6, s1;
	s6 =	sadd.s32 $0xB000, s9  }
0x3c: {  	v0 =	vimm.f32 $0.0e+00;
	s11 =	simm.s32 $0x13900;
	s0 =	simm.s32 $0x0;
	[smem:$0x7EC] =	sst s6  }
.LBB2_1:
0x3d: {  	s2 =	rddreg [dreg:$0x6]  }
0x3e: {  	[tilespmem:s10], [sflag:$0x3] =	stream.linear.gather [hbm4b:s2+s4], $0x50, $0x38;
	[tilespmem:$0x1E280] =	vst v63  }
0x3f: {  	s6 =	rddreg [dreg:$0x7]  }
0x40: {  	[tilespmem:s11], [sflag:$0x3] =	stream.linear.gather [hbm4b:s6+s4], $0x50, $0x38;
	[tilespmem:$0x1E280] =	vst v63  }
0x41: {  	s7 =	rddreg [dreg:$0x8]  }
0x42: {  	[tilespmem:s12], [sflag:$0x1] =	stream.linear.gather [hbm4b:s7+s4], $0x5000, $0x38;
	[tilespmem:$0x1E280] =	vst v63  }
0x43: {  	s22 =	rddreg [dreg:$0x9]  }
0x44: {  	[tilespmem:s13], [sflag:$0x4] =	stream.linear.gather [hbm4b:s22+s4], $0x50, $0x38;
	[tilespmem:$0x1E280] =	vst v63  }
0x45: {  	s24 =	rddreg [dreg:$0xa]  }
0x46: {  	[tilespmem:s14], [sflag:$0x4] =	stream.linear.gather [hbm4b:s24+s4], $0x50, $0x38;
	[tilespmem:$0x1E280] =	vst v63  }
0x47: {  	s31 =	rddreg [dreg:$0xb];
	s2 =	simm.s32 $0x0;
	s6 =	simm.s32 $0x200  }
0x48: {  	[tilespmem:s15], [sflag:$0x2] =	stream.linear.gather [hbm4b:s31+s4], $0x5000, $0x38;
	[tilespmem:$0x1E280] =	vst v63  }
.LBB2_2:
0x49: {  	p0 =	sne.s32 s6, $0x1E00;
	[tilespmem:s2+$0x13AF0] =	vst v0  }
0x4a: {  	[tilespmem:s2+$0x13A80] =	vst v0  }
0x4b: {  	[tilespmem:s2+$0x13A90] =	vst v0  }
.Ltmp0:
0x4c: {  	[tilespmem:s2+$0x13AA0] =	vst v0;
	(pc) =	sbr.rel @p0 .LBB2_2-.Ltmp0, $4  }
0x4d: {  	[tilespmem:s2+$0x13AB0] =	vst v0  }
0x4e: {  	[tilespmem:s2+$0x13AC0] =	vst v0  }
0x4f: {  	[tilespmem:s2+$0x13AD0] =	vst v0  }
0x50: {  	[tilespmem:s2+$0x13AE0] =	vst v0;
	s2 =	sshra.s32 s6, $0x2;
	s6 =	sadd.s32 $0x200, s6  }
0x51: {  	[tilespmem:s2+$0x13AF0] =	vst v0  }
0x52: {  	[tilespmem:s2+$0x13A80] =	vst v0  }
0x53: {  	[tilespmem:s2+$0x13A90] =	vst v0  }
0x54: {  	[tilespmem:s2+$0x13AA0] =	vst v0  }
0x55: {  	[tilespmem:s2+$0x13AB0] =	vst v0  }
0x56: {  	[tilespmem:s2+$0x13AC0] =	vst v0  }
0x57: {  	[tilespmem:s2+$0x13AD0] =	vst v0  }
0x58: {  	[tilespmem:s2+$0x13AE0] =	vst v0;
	s6 =	rddreg [dreg:$0xc]  }
0x59: {  	[spmem:s9] =	stream.linear.scatter [tilespmem:s16], [sflag:$0x7], $0x800, $0x38;
	[tilespmem:$0x1E280] =	vst v63  }
0x5a: {  	s7 =	rddreg [dreg:$0xd]  }
0x5b: {  	[spmem:s6] =	stream.linear.scatter [tilespmem:s16], [sflag:$0x7], $0x800, $0x38;
	[tilespmem:$0x1E280] =	vst v63  }
0x5c: {  	s22 =	rddreg [dreg:$0xe]  }
0x5d: {  	[spmem:s7] =	stream.linear.scatter [tilespmem:s16], [sflag:$0x7], $0x800, $0x38;
	[tilespmem:$0x1E280] =	vst v63  }
0x5e: {  	s24 =	rddreg [dreg:$0xf]  }
0x5f: {  	[spmem:s22] =	stream.linear.scatter [tilespmem:s16], [sflag:$0x7], $0x800, $0x38;
	[tilespmem:$0x1E280] =	vst v63  }
0x60: {  	s31 =	rddreg [dreg:$0x10]  }
0x61: {  	[spmem:s24] =	stream.linear.scatter [tilespmem:s16], [sflag:$0x7], $0x800, $0x38;
	[tilespmem:$0x1E280] =	vst v63  }
0x62: {  	s6 =	rddreg [dreg:$0x11]  }
0x63: {  	[spmem:s31] =	stream.linear.scatter [tilespmem:s16], [sflag:$0x7], $0x800, $0x38;
	[tilespmem:$0x1E280] =	vst v63  }
0x64: {  	s7 =	rddreg [dreg:$0x17]  }
0x65: {  	[spmem:s6] =	stream.linear.scatter [tilespmem:s16], [sflag:$0x7], $0x800, $0x38;
	[tilespmem:$0x1E280] =	vst v63  }
0x66: {  	s22 =	rddreg [dreg:$0x18]  }
0x67: {  	[spmem:s7] =	stream.linear.scatter [tilespmem:s16], [sflag:$0x7], $0x800, $0x38;
	[tilespmem:$0x1E280] =	vst v63  }
0x68: {  	s24 =	rddreg [dreg:$0x19]  }
0x69: {  	[spmem:s22] =	stream.linear.scatter [tilespmem:s16], [sflag:$0x7], $0x800, $0x38;
	[tilespmem:$0x1E280] =	vst v63  }
0x6a: {  	s31 =	rddreg [dreg:$0x1a]  }
0x6b: {  	[spmem:s24] =	stream.linear.scatter [tilespmem:s16], [sflag:$0x7], $0x800, $0x38;
	[tilespmem:$0x1E280] =	vst v63  }
0x6c: {  	s6 =	rddreg [dreg:$0x1b]  }
0x6d: {  	[spmem:s31] =	stream.linear.scatter [tilespmem:s16], [sflag:$0x7], $0x800, $0x38;
	[tilespmem:$0x1E280] =	vst v63  }
0x6e: {  	s7 =	rddreg [dreg:$0x1c]  }
0x6f: {  	[spmem:s6] =	stream.linear.scatter [tilespmem:s16], [sflag:$0x7], $0x800, $0x38;
	[tilespmem:$0x1E280] =	vst v63  }
0x70: {  	s22 =	rddreg [dreg:$0x1d]  }
0x71: {  	[spmem:s7] =	stream.linear.scatter [tilespmem:s16], [sflag:$0x7], $0x800, $0x38;
	[tilespmem:$0x1E280] =	vst v63  }
0x72: {  	s24 =	rddreg [dreg:$0x1e]  }
0x73: {  	[spmem:s22] =	stream.linear.scatter [tilespmem:s16], [sflag:$0x7], $0x800, $0x38;
	[tilespmem:$0x1E280] =	vst v63  }
0x74: {  	s31 =	rddreg [dreg:$0x1f]  }
0x75: {  	[spmem:s24] =	stream.linear.scatter [tilespmem:s16], [sflag:$0x7], $0x800, $0x38;
	[tilespmem:$0x1E280] =	vst v63  }
0x76: {  	s6 =	sld [smem:$0x7E6]  }
0x77: {  	[spmem:s31] =	stream.linear.scatter [tilespmem:s16], [sflag:$0x7], $0x800, $0x38;
	[tilespmem:$0x1E280] =	vst v63  }
0x78: {  	s7 =	sld [smem:$0x7E7]  }
0x79: {  	[spmem:s6] =	stream.linear.scatter [tilespmem:s16], [sflag:$0x7], $0x800, $0x38;
	[tilespmem:$0x1E280] =	vst v63  }
0x7a: {  	s22 =	sld [smem:$0x7E8]  }
0x7b: {  	[spmem:s7] =	stream.linear.scatter [tilespmem:s16], [sflag:$0x7], $0x800, $0x38;
	[tilespmem:$0x1E280] =	vst v63  }
0x7c: {  	s24 =	sld [smem:$0x7E9]  }
0x7d: {  	[spmem:s22] =	stream.linear.scatter [tilespmem:s16], [sflag:$0x7], $0x800, $0x38;
	[tilespmem:$0x1E280] =	vst v63  }
0x7e: {  	s31 =	sld [smem:$0x7EA]  }
0x7f: {  	[spmem:s24] =	stream.linear.scatter [tilespmem:s16], [sflag:$0x7], $0x800, $0x38;
	[tilespmem:$0x1E280] =	vst v63  }
0x80: {  	s6 =	sld [smem:$0x7EB]  }
0x81: {  	[spmem:s31] =	stream.linear.scatter [tilespmem:s16], [sflag:$0x7], $0x800, $0x38;
	[tilespmem:$0x1E280] =	vst v63  }
0x82: {  	s7 =	sld [smem:$0x7EC]  }
0x83: {  	[spmem:s6] =	stream.linear.scatter [tilespmem:s16], [sflag:$0x7], $0x800, $0x38;
	[tilespmem:$0x1E280] =	vst v63  }
0x84: {  	s22 =	sld [smem:$0x7ED]  }
0x85: {  	[spmem:s7] =	stream.linear.scatter [tilespmem:s16], [sflag:$0x7], $0x800, $0x38;
	[tilespmem:$0x1E280] =	vst v63  }
0x86: {  	s24 =	sld [smem:$0x7EE]  }
0x87: {  	[spmem:s22] =	stream.linear.scatter [tilespmem:s16], [sflag:$0x7], $0x800, $0x38;
	[tilespmem:$0x1E280] =	vst v63  }
0x88: {  	s31 =	sld [smem:$0x7EF]  }
0x89: {  	[spmem:s24] =	stream.linear.scatter [tilespmem:s16], [sflag:$0x7], $0x800, $0x38;
	[tilespmem:$0x1E280] =	vst v63  }
0x8a: {  	s6 =	sld [smem:$0x7F0]  }
0x8b: {  	[spmem:s31] =	stream.linear.scatter [tilespmem:s16], [sflag:$0x7], $0x800, $0x38;
	[tilespmem:$0x1E280] =	vst v63  }
0x8c: {  	s7 =	sld [smem:$0x7F1]  }
0x8d: {  	[spmem:s6] =	stream.linear.scatter [tilespmem:s16], [sflag:$0x7], $0x800, $0x38;
	[tilespmem:$0x1E280] =	vst v63  }
0x8e: {  	s22 =	sld [smem:$0x7F2]  }
0x8f: {  	[spmem:s7] =	stream.linear.scatter [tilespmem:s16], [sflag:$0x7], $0x800, $0x38;
	[tilespmem:$0x1E280] =	vst v63  }
0x90: {  	s24 =	sld [smem:$0x7F3]  }
0x91: {  	[spmem:s22] =	stream.linear.scatter [tilespmem:s16], [sflag:$0x7], $0x800, $0x38;
	[tilespmem:$0x1E280] =	vst v63  }
0x92: {  	s31 =	sld [smem:$0x7F4]  }
0x93: {  	[spmem:s24] =	stream.linear.scatter [tilespmem:s16], [sflag:$0x7], $0x800, $0x38;
	[tilespmem:$0x1E280] =	vst v63  }
0x94: {  	s6 =	sld [smem:$0x7F5]  }
0x95: {  	[spmem:s31] =	stream.linear.scatter [tilespmem:s16], [sflag:$0x7], $0x800, $0x38;
	[tilespmem:$0x1E280] =	vst v63  }
0x96: {  	s7 =	sld [smem:$0x7F6]  }
0x97: {  	[spmem:s6] =	stream.linear.scatter [tilespmem:s16], [sflag:$0x7], $0x800, $0x38;
	[tilespmem:$0x1E280] =	vst v63  }
0x98: {  	s22 =	sld [smem:$0x7F7]  }
0x99: {  	[spmem:s7] =	stream.linear.scatter [tilespmem:s16], [sflag:$0x7], $0x800, $0x38;
	[tilespmem:$0x1E280] =	vst v63  }
0x9a: {  	s24 =	sld [smem:$0x7F8]  }
0x9b: {  	[spmem:s22] =	stream.linear.scatter [tilespmem:s16], [sflag:$0x7], $0x800, $0x38;
	[tilespmem:$0x1E280] =	vst v63  }
0x9c: {  	s31 =	sld [smem:$0x7F9]  }
0x9d: {  	[spmem:s24] =	stream.linear.scatter [tilespmem:s16], [sflag:$0x7], $0x800, $0x38;
	[tilespmem:$0x1E280] =	vst v63  }
0x9e: {  	s6 =	sld [smem:$0x7FA]  }
0x9f: {  	[spmem:s31] =	stream.linear.scatter [tilespmem:s16], [sflag:$0x7], $0x800, $0x38;
	[tilespmem:$0x1E280] =	vst v63  }
0xa0: {  	s7 =	sld [smem:$0x7FB]  }
0xa1: {  	[spmem:s6] =	stream.linear.scatter [tilespmem:s16], [sflag:$0x7], $0x800, $0x38;
	[tilespmem:$0x1E280] =	vst v63  }
0xa2: {  	s22 =	sld [smem:$0x7FC]  }
0xa3: {  	[spmem:s7] =	stream.linear.scatter [tilespmem:s16], [sflag:$0x7], $0x800, $0x38;
	[tilespmem:$0x1E280] =	vst v63  }
0xa4: {  	s24 =	sld [smem:$0x7FD]  }
0xa5: {  	[spmem:s22] =	stream.linear.scatter [tilespmem:s16], [sflag:$0x7], $0x800, $0x38;
	[tilespmem:$0x1E280] =	vst v63  }
0xa6: {  	_ = 	snop  }
0xa7: {  	[spmem:s24] =	stream.linear.scatter [tilespmem:s16], [sflag:$0x7], $0x800, $0x38;
	[tilespmem:$0x1E280] =	vst v63  }
0xa8: {  	_ =	swait.ge [sflag:s17], $0x800  }
0xa9: {  	[sflag:s17] =	ssyncset.done $0x0  }
0xaa: {  	[sflag:s17] =	ssyncadd.s32 $0xFFFFF800  }
0xab: {  	_ =	swait.ge [sflag:s17], $0x800  }
0xac: {  	[sflag:s17] =	ssyncset.done $0x0  }
0xad: {  	[sflag:s17] =	ssyncadd.s32 $0xFFFFF800  }
0xae: {  	_ =	swait.ge [sflag:s17], $0x800  }
0xaf: {  	[sflag:s17] =	ssyncset.done $0x0  }
0xb0: {  	[sflag:s17] =	ssyncadd.s32 $0xFFFFF800  }
0xb1: {  	_ =	swait.ge [sflag:s17], $0x800  }
0xb2: {  	[sflag:s17] =	ssyncset.done $0x0  }
0xb3: {  	[sflag:s17] =	ssyncadd.s32 $0xFFFFF800  }
0xb4: {  	_ =	swait.ge [sflag:s17], $0x800  }
0xb5: {  	[sflag:s17] =	ssyncset.done $0x0  }
0xb6: {  	[sflag:s17] =	ssyncadd.s32 $0xFFFFF800  }
0xb7: {  	_ =	swait.ge [sflag:s17], $0x800  }
0xb8: {  	[sflag:s17] =	ssyncset.done $0x0  }
0xb9: {  	[sflag:s17] =	ssyncadd.s32 $0xFFFFF800  }
0xba: {  	_ =	swait.ge [sflag:s17], $0x800  }
0xbb: {  	[sflag:s17] =	ssyncset.done $0x0  }
0xbc: {  	[sflag:s17] =	ssyncadd.s32 $0xFFFFF800  }
0xbd: {  	_ =	swait.ge [sflag:s17], $0x800  }
0xbe: {  	[sflag:s17] =	ssyncset.done $0x0  }
0xbf: {  	[sflag:s17] =	ssyncadd.s32 $0xFFFFF800  }
0xc0: {  	_ =	swait.ge [sflag:s17], $0x800  }
0xc1: {  	[sflag:s17] =	ssyncset.done $0x0  }
0xc2: {  	[sflag:s17] =	ssyncadd.s32 $0xFFFFF800  }
0xc3: {  	_ =	swait.ge [sflag:s17], $0x800  }
0xc4: {  	[sflag:s17] =	ssyncset.done $0x0  }
0xc5: {  	[sflag:s17] =	ssyncadd.s32 $0xFFFFF800  }
0xc6: {  	_ =	swait.ge [sflag:s17], $0x800  }
0xc7: {  	[sflag:s17] =	ssyncset.done $0x0  }
0xc8: {  	[sflag:s17] =	ssyncadd.s32 $0xFFFFF800  }
0xc9: {  	_ =	swait.ge [sflag:s17], $0x800  }
0xca: {  	[sflag:s17] =	ssyncset.done $0x0  }
0xcb: {  	[sflag:s17] =	ssyncadd.s32 $0xFFFFF800  }
0xcc: {  	_ =	swait.ge [sflag:s17], $0x800  }
0xcd: {  	[sflag:s17] =	ssyncset.done $0x0  }
0xce: {  	[sflag:s17] =	ssyncadd.s32 $0xFFFFF800  }
0xcf: {  	_ =	swait.ge [sflag:s17], $0x800  }
0xd0: {  	[sflag:s17] =	ssyncset.done $0x0  }
0xd1: {  	[sflag:s17] =	ssyncadd.s32 $0xFFFFF800  }
0xd2: {  	_ =	swait.ge [sflag:s17], $0x800  }
0xd3: {  	[sflag:s17] =	ssyncset.done $0x0  }
0xd4: {  	[sflag:s17] =	ssyncadd.s32 $0xFFFFF800  }
0xd5: {  	_ =	swait.ge [sflag:s17], $0x800  }
0xd6: {  	[sflag:s17] =	ssyncset.done $0x0  }
0xd7: {  	[sflag:s17] =	ssyncadd.s32 $0xFFFFF800  }
0xd8: {  	_ =	swait.ge [sflag:s17], $0x800  }
0xd9: {  	[sflag:s17] =	ssyncset.done $0x0  }
0xda: {  	[sflag:s17] =	ssyncadd.s32 $0xFFFFF800  }
0xdb: {  	_ =	swait.ge [sflag:s17], $0x800  }
0xdc: {  	[sflag:s17] =	ssyncset.done $0x0  }
0xdd: {  	[sflag:s17] =	ssyncadd.s32 $0xFFFFF800  }
0xde: {  	_ =	swait.ge [sflag:s17], $0x800  }
0xdf: {  	[sflag:s17] =	ssyncset.done $0x0  }
0xe0: {  	[sflag:s17] =	ssyncadd.s32 $0xFFFFF800  }
0xe1: {  	_ =	swait.ge [sflag:s17], $0x800  }
0xe2: {  	[sflag:s17] =	ssyncset.done $0x0  }
0xe3: {  	[sflag:s17] =	ssyncadd.s32 $0xFFFFF800  }
0xe4: {  	_ =	swait.ge [sflag:s17], $0x800  }
0xe5: {  	[sflag:s17] =	ssyncset.done $0x0  }
0xe6: {  	[sflag:s17] =	ssyncadd.s32 $0xFFFFF800  }
0xe7: {  	_ =	swait.ge [sflag:s17], $0x800  }
0xe8: {  	[sflag:s17] =	ssyncset.done $0x0  }
0xe9: {  	[sflag:s17] =	ssyncadd.s32 $0xFFFFF800  }
0xea: {  	_ =	swait.ge [sflag:s17], $0x800  }
0xeb: {  	[sflag:s17] =	ssyncset.done $0x0  }
0xec: {  	[sflag:s17] =	ssyncadd.s32 $0xFFFFF800  }
0xed: {  	_ =	swait.ge [sflag:s17], $0x800  }
0xee: {  	[sflag:s17] =	ssyncset.done $0x0  }
0xef: {  	[sflag:s17] =	ssyncadd.s32 $0xFFFFF800  }
0xf0: {  	_ =	swait.ge [sflag:s17], $0x800  }
0xf1: {  	[sflag:s17] =	ssyncset.done $0x0  }
0xf2: {  	[sflag:s17] =	ssyncadd.s32 $0xFFFFF800  }
0xf3: {  	_ =	swait.ge [sflag:s17], $0x800  }
0xf4: {  	[sflag:s17] =	ssyncset.done $0x0  }
0xf5: {  	[sflag:s17] =	ssyncadd.s32 $0xFFFFF800  }
0xf6: {  	_ =	swait.ge [sflag:s17], $0x800  }
0xf7: {  	[sflag:s17] =	ssyncset.done $0x0  }
0xf8: {  	[sflag:s17] =	ssyncadd.s32 $0xFFFFF800  }
0xf9: {  	_ =	swait.ge [sflag:s17], $0x800  }
0xfa: {  	[sflag:s17] =	ssyncset.done $0x0  }
0xfb: {  	[sflag:s17] =	ssyncadd.s32 $0xFFFFF800  }
0xfc: {  	_ =	swait.ge [sflag:s17], $0x800  }
0xfd: {  	[sflag:s17] =	ssyncset.done $0x0  }
0xfe: {  	[sflag:s17] =	ssyncadd.s32 $0xFFFFF800  }
0xff: {  	_ =	swait.ge [sflag:s17], $0x800  }
0x100: {  	[sflag:s17] =	ssyncset.done $0x0  }
0x101: {  	[sflag:s17] =	ssyncadd.s32 $0xFFFFF800  }
0x102: {  	_ =	swait.ge [sflag:s17], $0x800  }
0x103: {  	[sflag:s17] =	ssyncset.done $0x0  }
0x104: {  	[sflag:s17] =	ssyncadd.s32 $0xFFFFF800  }
0x105: {  	_ =	swait.ge [sflag:s17], $0x800  }
0x106: {  	[sflag:s17] =	ssyncset.done $0x0  }
0x107: {  	[sflag:s17] =	ssyncadd.s32 $0xFFFFF800  }
0x108: {  	_ =	swait.ge [sflag:s17], $0x800  }
0x109: {  	[sflag:s17] =	ssyncset.done $0x0  }
0x10a: {  	[sflag:s17] =	ssyncadd.s32 $0xFFFFF800  }
0x10b: {  	_ =	swait.ge [sflag:s17], $0x800  }
0x10c: {  	[sflag:s17] =	ssyncset.done $0x0  }
0x10d: {  	[sflag:s17] =	ssyncadd.s32 $0xFFFFF800  }
0x10e: {  	_ =	swait.ge [sflag:s17], $0x800  }
0x10f: {  	[sflag:s17] =	ssyncset.done $0x0  }
0x110: {  	[sflag:s17] =	ssyncadd.s32 $0xFFFFF800  }
0x111: {  	_ =	swait.ge [sflag:s17], $0x800  }
0x112: {  	[sflag:s17] =	ssyncset.done $0x0  }
0x113: {  	[sflag:s17] =	ssyncadd.s32 $0xFFFFF800  }
0x114: {  	_ =	swait.ge [sflag:s17], $0x800  }
0x115: {  	[sflag:s17] =	ssyncset.done $0x0  }
0x116: {  	[sflag:s17] =	ssyncadd.s32 $0xFFFFF800  }
0x117: {  	_ =	swait.ge [sflag:s17], $0x800  }
0x118: {  	[sflag:s17] =	ssyncset.done $0x0  }
0x119: {  	[sflag:s17] =	ssyncadd.s32 $0xFFFFF800  }
0x11a: {  	_ =	swait.ge [sflag:s17], $0x800  }
0x11b: {  	[sflag:s17] =	ssyncset.done $0x0  }
0x11c: {  	[sflag:s17] =	ssyncadd.s32 $0xFFFFF800  }
0x11d: {  	_ =	swait.ge [sflag:s17], $0x800  }
0x11e: {  	[sflag:s17] =	ssyncset.done $0x0  }
0x11f: {  	[sflag:s17] =	ssyncadd.s32 $0xFFFFF800  }
0x120: {  	[bflag:$0x0] =	sbarrier.arrive $0xFFFF  }
0x121: {  	_ =	swait.ge [sflag:s18], $0x5000  }
0x122: {  	[sflag:s18] =	ssyncset.done $0x0  }
0x123: {  	[sflag:s18] =	ssyncadd.s32 $0xFFFFB000  }
0x124: {  	_ =	swait.ge [sflag:s19], $0x50  }
0x125: {  	[sflag:s19] =	ssyncset.done $0x0  }
0x126: {  	[sflag:s19] =	ssyncadd.s32 $0xFFFFFFB0  }
0x127: {  	_ =	swait.ge [sflag:s19], $0x50  }
0x128: {  	[sflag:s19] =	ssyncset.done $0x0  }
0x129: {  	[sflag:s19] =	ssyncadd.s32 $0xFFFFFFB0  }
0x12a: {  	[spmem:s3] =	stream.indirect.scatter.add.f32 [tilespmem:s12], [sflag:$0x5], $0x80, s10, s5, $0xb8;
	[tilespmem:$0x1E280] =	vst v63  }
0x12b: {  	_ = 	snop  }
0x12c: {  	[spmem:s3] =	stream.indirect.scatter.add.f32 [tilespmem:s20], [sflag:$0x5], $0x80, s11, s5, $0xb8;
	[tilespmem:$0x1E280] =	vst v63  }
0x12d: {  	_ =	swait.ge [sflag:s21], $0x5000  }
0x12e: {  	[sflag:s21] =	ssyncset.done $0x0  }
0x12f: {  	[sflag:s21] =	ssyncadd.s32 $0xFFFFB000  }
0x130: {  	_ =	swait.ge [sflag:s26], $0x50  }
0x131: {  	[sflag:s26] =	ssyncset.done $0x0  }
0x132: {  	[sflag:s26] =	ssyncadd.s32 $0xFFFFFFB0  }
0x133: {  	_ =	swait.ge [sflag:s26], $0x50  }
0x134: {  	[sflag:s26] =	ssyncset.done $0x0  }
0x135: {  	[sflag:s26] =	ssyncadd.s32 $0xFFFFFFB0  }
0x136: {  	[spmem:s3] =	stream.indirect.scatter.add.f32 [tilespmem:s15], [sflag:$0x6], $0x80, s13, s5, $0xb8;
	[tilespmem:$0x1E280] =	vst v63  }
0x137: {  	_ = 	snop  }
0x138: {  	[spmem:s3] =	stream.indirect.scatter.add.f32 [tilespmem:s28], [sflag:$0x6], $0x80, s14, s5, $0xb8;
	[tilespmem:$0x1E280] =	vst v63  }
0x139: {  	_ =	swait.ge [sflag:s29], $0x2800  }
0x13a: {  	[sflag:s29] =	ssyncset.done $0x0  }
0x13b: {  	[sflag:s29] =	ssyncadd.s32 $0xFFFFD800  }
0x13c: {  	_ =	swait.ge [sflag:s29], $0x2800  }
0x13d: {  	s7 =	rddreg [dreg:$0x16]  }
0x13e: {  	[sflag:s29] =	ssyncset.done $0x0;
	s31 =	sshrl.u32 s7, $0x3  }
0x13f: {  	[sflag:s29] =	ssyncadd.s32 $0xFFFFD800;
	s2 =	sadd.s32 s1, s31  }
0x140: {  	[tilespmem:s10], [sflag:$0x3] =	stream.linear.gather [hbm4b:s2+s4], $0x50, $0x38;
	[tilespmem:$0x1E280] =	vst v63  }
0x141: {  	s6 =	sadd.s32 $0x0, s25  }
0x142: {  	[tilespmem:s11], [sflag:$0x3] =	stream.linear.gather [hbm4b:s6+s4], $0x50, $0x38;
	[tilespmem:$0x1E280] =	vst v63  }
0x143: {  	s22 =	sadd.s32 $0xFFFFF600, s8  }
0x144: {  	[tilespmem:s12], [sflag:$0x1] =	stream.linear.gather [hbm4b:s22+s4], $0x5000, $0x38;
	[tilespmem:$0x1E280] =	vst v63  }
0x145: {  	_ =	swait.ge [sflag:s18], $0x5000  }
0x146: {  	[sflag:s18] =	ssyncset.done $0x0  }
0x147: {  	[sflag:s18] =	ssyncadd.s32 $0xFFFFB000  }
0x148: {  	_ =	swait.ge [sflag:s19], $0x50  }
0x149: {  	[sflag:s19] =	ssyncset.done $0x0  }
0x14a: {  	[sflag:s19] =	ssyncadd.s32 $0xFFFFFFB0  }
0x14b: {  	_ =	swait.ge [sflag:s19], $0x50  }
0x14c: {  	[sflag:s19] =	ssyncset.done $0x0  }
0x14d: {  	[sflag:s19] =	ssyncadd.s32 $0xFFFFFFB0  }
0x14e: {  	[spmem:s3] =	stream.indirect.scatter.add.f32 [tilespmem:s12], [sflag:$0x5], $0x80, s10, s5, $0xb8;
	[tilespmem:$0x1E280] =	vst v63  }
0x14f: {  	_ = 	snop  }
0x150: {  	[spmem:s3] =	stream.indirect.scatter.add.f32 [tilespmem:s20], [sflag:$0x5], $0x80, s11, s5, $0xb8;
	[tilespmem:$0x1E280] =	vst v63  }
0x151: {  	_ =	swait.ge [sflag:s30], $0x2800  }
0x152: {  	[sflag:s30] =	ssyncset.done $0x0  }
0x153: {  	[sflag:s30] =	ssyncadd.s32 $0xFFFFD800  }
0x154: {  	_ =	swait.ge [sflag:s30], $0x2800  }
0x155: {  	s7 =	sadd.s32 $0x140, s7;
	s24 =	rddreg [dreg:$0x5];
	[sflag:s30] =	ssyncset.done $0x0  }
0x156: {  	s31 =	sadd.s32 $0x0, s23;
	[sflag:s30] =	ssyncadd.s32 $0xFFFFD800;
	s2 =	sadd.s32 $0x0, s24  }
0x157: {  	[tilespmem:s13], [sflag:$0x4] =	stream.linear.gather [hbm4b:s2+s4], $0x50, $0x38;
	[tilespmem:$0x1E280] =	vst v63  }
0x158: {  	s6 =	sadd.s32 $0x1400, s8;
	s22 =	smov.u32 s8;
	s2 =	simm.s32 $0x28  }
0x159: {  	[tilespmem:s14], [sflag:$0x4] =	stream.linear.gather [hbm4b:s31+s4], $0x50, $0x38;
	[tilespmem:$0x1E280] =	vst v63  }
.LBB2_4:
0x15a: {  	[tilespmem:s15], [sflag:$0x2] =	stream.linear.gather [hbm4b:s22+s4], $0x5000, $0x38;
	[tilespmem:$0x1E280] =	vst v63  }
0x15b: {  	_ =	swait.ge [sflag:s21], $0x5000  }
0x15c: {  	[sflag:s21] =	ssyncset.done $0x0  }
0x15d: {  	[sflag:s21] =	ssyncadd.s32 $0xFFFFB000  }
0x15e: {  	_ =	swait.ge [sflag:s26], $0x50  }
0x15f: {  	[sflag:s26] =	ssyncset.done $0x0  }
0x160: {  	[sflag:s26] =	ssyncadd.s32 $0xFFFFFFB0  }
0x161: {  	_ =	swait.ge [sflag:s26], $0x50  }
0x162: {  	[sflag:s26] =	ssyncset.done $0x0  }
0x163: {  	[sflag:s26] =	ssyncadd.s32 $0xFFFFFFB0  }
0x164: {  	[spmem:s3] =	stream.indirect.scatter.add.f32 [tilespmem:s15], [sflag:$0x6], $0x80, s13, s5, $0xb8;
	[tilespmem:$0x1E280] =	vst v63  }
0x165: {  	_ = 	snop  }
0x166: {  	[spmem:s3] =	stream.indirect.scatter.add.f32 [tilespmem:s28], [sflag:$0x6], $0x80, s14, s5, $0xb8;
	[tilespmem:$0x1E280] =	vst v63  }
0x167: {  	_ =	swait.ge [sflag:s29], $0x2800  }
0x168: {  	[sflag:s29] =	ssyncset.done $0x0  }
0x169: {  	[sflag:s29] =	ssyncadd.s32 $0xFFFFD800  }
0x16a: {  	_ =	swait.ge [sflag:s29], $0x2800  }
0x16b: {  	s24 =	sshrl.u32 s7, $0x3;
	[sflag:s29] =	ssyncset.done $0x0  }
0x16c: {  	s31 =	smov.u32 s2;
	s24 =	sadd.s32 s1, s24;
	[sflag:s29] =	ssyncadd.s32 $0xFFFFD800  }
0x16d: {  	[tilespmem:s10], [sflag:$0x3] =	stream.linear.gather [hbm4b:s24+s4], $0x50, $0x38;
	[tilespmem:$0x1E280] =	vst v63  }
0x16e: {  	s24 =	sadd.s32 s31, s25  }
0x16f: {  	[tilespmem:s11], [sflag:$0x3] =	stream.linear.gather [hbm4b:s24+s4], $0x50, $0x38;
	[tilespmem:$0x1E280] =	vst v63  }
0x170: {  	s24 =	sadd.s32 $0xFFFFF600, s6  }
0x171: {  	[tilespmem:s12], [sflag:$0x1] =	stream.linear.gather [hbm4b:s24+s4], $0x5000, $0x38;
	[tilespmem:$0x1E280] =	vst v63  }
0x172: {  	_ =	swait.ge [sflag:s18], $0x5000  }
0x173: {  	[sflag:s18] =	ssyncset.done $0x0  }
0x174: {  	[sflag:s18] =	ssyncadd.s32 $0xFFFFB000  }
0x175: {  	_ =	swait.ge [sflag:s19], $0x50  }
0x176: {  	[sflag:s19] =	ssyncset.done $0x0  }
0x177: {  	[sflag:s19] =	ssyncadd.s32 $0xFFFFFFB0  }
0x178: {  	_ =	swait.ge [sflag:s19], $0x50  }
0x179: {  	[sflag:s19] =	ssyncset.done $0x0  }
0x17a: {  	[sflag:s19] =	ssyncadd.s32 $0xFFFFFFB0  }
0x17b: {  	[spmem:s3] =	stream.indirect.scatter.add.f32 [tilespmem:s12], [sflag:$0x5], $0x80, s10, s5, $0xb8;
	[tilespmem:$0x1E280] =	vst v63  }
0x17c: {  	_ = 	snop  }
0x17d: {  	[spmem:s3] =	stream.indirect.scatter.add.f32 [tilespmem:s20], [sflag:$0x5], $0x80, s11, s5, $0xb8;
	[tilespmem:$0x1E280] =	vst v63  }
0x17e: {  	_ =	swait.ge [sflag:s30], $0x2800  }
0x17f: {  	[sflag:s30] =	ssyncset.done $0x0  }
0x180: {  	[sflag:s30] =	ssyncadd.s32 $0xFFFFD800  }
0x181: {  	s22 =	smov.u32 s6;
	p0 =	sne.s32 s2, $0x488;
	_ =	swait.ge [sflag:s30], $0x2800  }
.Ltmp1:
0x182: {  	s24 =	rddreg [dreg:$0x5];
	[sflag:s30] =	ssyncset.done $0x0;
	(pc) =	sbr.rel @p0 .LBB2_4-.Ltmp1, $4  }
0x183: {  	s2 =	sadd.s32 $0x28, s2;
	[sflag:s30] =	ssyncadd.s32 $0xFFFFD800;
	s24 =	sadd.s32 s31, s24  }
0x184: {  	[tilespmem:s13], [sflag:$0x4] =	stream.linear.gather [hbm4b:s24+s4], $0x50, $0x38;
	[tilespmem:$0x1E280] =	vst v63  }
0x185: {  	s7 =	sadd.s32 $0x140, s7;
	s6 =	sadd.s32 $0x1400, s6;
	s31 =	sadd.s32 s31, s23  }
0x186: {  	[tilespmem:s14], [sflag:$0x4] =	stream.linear.gather [hbm4b:s31+s4], $0x50, $0x38;
	[tilespmem:$0x1E280] =	vst v63  }
0x187: {  	[tilespmem:s15], [sflag:$0x2] =	stream.linear.gather [hbm4b:s22+s4], $0x5000, $0x38;
	[tilespmem:$0x1E280] =	vst v63  }
0x188: {  	_ =	swait.ge [sflag:s21], $0x5000  }
0x189: {  	[sflag:s21] =	ssyncset.done $0x0  }
0x18a: {  	[sflag:s21] =	ssyncadd.s32 $0xFFFFB000  }
0x18b: {  	_ =	swait.ge [sflag:s26], $0x50  }
0x18c: {  	[sflag:s26] =	ssyncset.done $0x0  }
0x18d: {  	[sflag:s26] =	ssyncadd.s32 $0xFFFFFFB0  }
0x18e: {  	_ =	swait.ge [sflag:s26], $0x50  }
0x18f: {  	[sflag:s26] =	ssyncset.done $0x0  }
0x190: {  	[sflag:s26] =	ssyncadd.s32 $0xFFFFFFB0  }
0x191: {  	[spmem:s3] =	stream.indirect.scatter.add.f32 [tilespmem:s15], [sflag:$0x6], $0x80, s13, s5, $0xb8;
	[tilespmem:$0x1E280] =	vst v63  }
0x192: {  	_ = 	snop  }
0x193: {  	[spmem:s3] =	stream.indirect.scatter.add.f32 [tilespmem:s28], [sflag:$0x6], $0x80, s14, s5, $0xb8;
	[tilespmem:$0x1E280] =	vst v63  }
0x194: {  	_ =	swait.ge [sflag:s29], $0x2800  }
0x195: {  	[sflag:s29] =	ssyncset.done $0x0  }
0x196: {  	[sflag:s29] =	ssyncadd.s32 $0xFFFFD800  }
0x197: {  	_ =	swait.ge [sflag:s29], $0x2800  }
0x198: {  	[sflag:s29] =	ssyncset.done $0x0  }
0x199: {  	s2 =	rddreg [dreg:$0x13];
	[sflag:s29] =	ssyncadd.s32 $0xFFFFD800  }
0x19a: {  	[tilespmem:s10], [sflag:$0x3] =	stream.linear.gather [hbm4b:s2+s4], $0x50, $0x38;
	[tilespmem:$0x1E280] =	vst v63  }
0x19b: {  	s7 =	rddreg [dreg:$0x12]  }
0x19c: {  	[tilespmem:s12], [sflag:$0x1] =	stream.linear.gather [hbm4b:s7+s4], $0x2800, $0x38;
	[tilespmem:$0x1E280] =	vst v63  }
0x19d: {  	_ =	swait.ge [sflag:s18], $0x2800  }
0x19e: {  	[sflag:s18] =	ssyncset.done $0x0  }
0x19f: {  	[sflag:s18] =	ssyncadd.s32 $0xFFFFD800  }
0x1a0: {  	_ =	swait.ge [sflag:s19], $0x50  }
0x1a1: {  	[sflag:s19] =	ssyncset.done $0x0  }
0x1a2: {  	[sflag:s19] =	ssyncadd.s32 $0xFFFFFFB0  }
0x1a3: {  	[spmem:s3] =	stream.indirect.scatter.add.f32 [tilespmem:s12], [sflag:$0x5], $0x80, s10, s5, $0xb8;
	[tilespmem:$0x1E280] =	vst v63  }
0x1a4: {  	_ =	swait.ge [sflag:s30], $0x2800  }
0x1a5: {  	[sflag:s30] =	ssyncset.done $0x0  }
0x1a6: {  	[sflag:s30] =	ssyncadd.s32 $0xFFFFD800  }
0x1a7: {  	_ =	swait.ge [sflag:s30], $0x2800  }
0x1a8: {  	[sflag:s30] =	ssyncset.done $0x0  }
0x1a9: {  	[sflag:s30] =	ssyncadd.s32 $0xFFFFD800  }
0x1aa: {  	_ =	swait.ge [sflag:s29], $0x2800  }
0x1ab: {  	[sflag:s29] =	ssyncset.done $0x0  }
0x1ac: {  	s22 =	stileid.u32;
	[sflag:s29] =	ssyncadd.s32 $0xFFFFD800  }
0x1ad: {  	s6 =	sshrl.u32 s9, $0x3;
	s2 =	sshll.u32 s22, $0x6;
	[bflag:$0x0] =	sbarrier.arrive $0xFFFF  }
0x1ae: {  	s24 =	simm.s32 $0x8;
	s2 =	sor.u32 $0x1C08, s2;
	s7 =	rddreg [dreg:$0x15]  }
0x1af: {  	[hbm:s7], [sflag:s2] =	dma.local [spmem:s6], $0x2800  }
0x1b0: {  	_ =	swait.ge [sflag:s24], $0x2800  }
0x1b1: {  	s0 =	sadd.s32 $0x1, s0;
	s31 =	rddreg [dreg:$0x14]  }
0x1b2: {  	p0 =	sne.s32 s0, s31  }
.Ltmp2:
0x1b3: {  	_ = 	snop;
	(pc) =	sbr.rel @p0 .LBB2_1-.Ltmp2, $3  }
0x1b4: {  	_ =	sdelay $0x1  }
0x1b5: {  	[sflag:s24] =	ssyncset.done $0x0  }
0x1b6: {  	[sflag:s24] =	ssyncadd.s32 $0xFFFFD800  }
0x1b7: {  	_ =	sfence.sel $0x180000  }
0x1b8: {  	[bflag:$0x0] =	sbarrier.arrive $0xFFFF  }
0x1b9: {  	_ =	strace $0x90000047  }
0x1ba: {  	s0 =	stileid.u32;
	[bflag:$0x2] =	sbarrier.arrive $0xFFFF  }
0x1bb: {  	p0 =	sne.s32 s0, $0x0;
	s0 =	rddreg [dreg:$0x4]  }
0x1bc: {  	s0 =	sadd.s32 @!p0 $0x100000, s0  }
0x1bd: {  	[sflag:s0] =	ssyncadd.tile.s32 @!p0 $0x1;
	_ =	shalt  }
.Lfunc_end2:
_tile_overlayer_lowered:
.L_overlay_start_2:
0x1be: {  	(tag) =	ssettag $0x2  }
0x1bf: {  	s0 =	rddreg [dreg:$0x0];
	s2 =	stileid.u32  }
0x1c0: {  	s1 =	rddreg [dreg:$0x1];
	p0 =	sne.s32 s2, $0x0  }
0x1c1: {  	s3 =	rddreg [dreg:$0x2];
	[bflag:$0x3] =	sbarrier.arrive $0xFFFF;
	s2 =	simm.s32 @!p0 $0x1C08  }
0x1c2: {  	[timem:s3], [sflag:s2] =	dma.local @!p0 [hbm:s0], s1  }
0x1c3: {  	s0 =	simm.s32 @!p0 $0x8  }
0x1c4: {  	_ =	swait.ge @!p0 [sflag:s0], s1  }
0x1c5: {  	s1 =	ssub.s32 @!p0 $0x0, s1;
	[sflag:s0] =	ssyncset.done @!p0 $0x0  }
0x1c6: {  	[sflag:s0] =	ssyncadd.s32 @!p0 s1  }
0x1c7: {  	[bflag:$0x3] =	sbarrier.arrive $0xFFFF  }
0x1c8: {  	_ =	shalt  }

</sc_bundles>
